<compile_context>
chip_gen: v7x
topology: tpu7x:2x2x1
jax: 0.10.2.dev20260603
libtpu: 0.0.44.dev20260713+nightly
codegen_flags: <defaults>
</compile_context>

<pallas_src>
import functools

import jax
import jax.numpy as jnp
from jax import lax
from jax.experimental import pallas as pl
from jax.experimental.pallas import tpu as pltpu
from jax.experimental.pallas import tpu_sc as plsc

VOCAB = 1000000
EMB_D = 32
BATCH = 4096
HIST = 200

_info = plsc.get_sparse_core_info()
NC = _info.num_cores
NS = _info.num_subcores
LANES = _info.num_lanes
NW = NC * NS
BPW = BATCH // NW
NBUF = 4
SPLIT = 104


def _make_kernel():
    mesh = plsc.VectorSubcoreMesh(core_axis_name="c", subcore_axis_name="s")

    @functools.partial(
        pl.kernel,
        mesh=mesh,
        out_type=jax.ShapeDtypeStruct((BATCH, EMB_D), jnp.float32),
        compiler_params=pltpu.CompilerParams(use_tc_tiling_on_sc=False),
        scratch_types=[
            pltpu.VMEM((BPW * HIST,), jnp.int32),
            pltpu.VMEM((NBUF, HIST, EMB_D), jnp.float32),
            pltpu.VMEM((BPW, EMB_D), jnp.float32),
            pltpu.SemaphoreType.DMA,
            pltpu.SemaphoreType.DMA,
            pltpu.SemaphoreType.DMA,
            pltpu.SemaphoreType.DMA,
        ],
    )
    def k(xs_hbm, table_hbm, out_hbm, idx_v, bufs, obuf, s0, s1, s2, s3):
        c = lax.axis_index("c")
        s = lax.axis_index("s")
        w = c * NS + s
        sems = (s0, s1, s2, s3)

        pltpu.sync_copy(xs_hbm.at[w], idx_v)

        def descs(r, p):
            src_a = table_hbm.at[idx_v.at[pl.ds(r * HIST, SPLIT)]]
            src_b = table_hbm.at[idx_v.at[pl.ds(r * HIST + SPLIT, HIST - SPLIT)]]
            dst_a = bufs.at[p, pl.ds(0, SPLIT)]
            dst_b = bufs.at[p, pl.ds(SPLIT, HIST - SPLIT)]
            return (src_a, dst_a), (src_b, dst_b)

        def g_start(r, p):
            for src, dst in descs(r, p):
                pltpu.async_copy(src, dst, sems[p])

        def g_wait(r, p):
            for src, dst in descs(r, p):
                pltpu.make_async_copy(src, dst, sems[p]).wait()

        zero = jnp.zeros((LANES,), jnp.float32)
        inv = jnp.float32(1.0 / HIST)

        def reduce_row(r, p):
            def rbody(m, carry):
                ae, ao, be, bo = carry
                base = m * 8
                for u in range(0, 8, 2):
                    ae = ae + bufs[p, base + u, pl.ds(0, LANES)]
                    be = be + bufs[p, base + u, pl.ds(LANES, LANES)]
                    ao = ao + bufs[p, base + u + 1, pl.ds(0, LANES)]
                    bo = bo + bufs[p, base + u + 1, pl.ds(LANES, LANES)]
                return ae, ao, be, bo

            ae, ao, be, bo = lax.fori_loop(
                0, HIST // 8, rbody, (zero, zero, zero, zero))
            obuf[r, pl.ds(0, LANES)] = (ae + ao) * inv
            obuf[r, pl.ds(LANES, LANES)] = (be + bo) * inv

        for p in range(NBUF):
            g_start(p, p)

        def body(i, carry):
            r0 = NBUF * i
            for p in range(NBUF):
                g_wait(r0 + p, p)
                reduce_row(r0 + p, p)
                g_start(r0 + NBUF + p, p)
            return carry

        lax.fori_loop(0, BPW // NBUF - 1, body, 0)

        r0 = BPW - NBUF
        for p in range(NBUF):
            g_wait(r0 + p, p)
            reduce_row(r0 + p, p)

        pltpu.sync_copy(obuf, out_hbm.at[pl.ds(w * BPW, BPW)])

    return k


_sc_kernel = _make_kernel()

_WBLK = 8192
_NBLK = (VOCAB + _WBLK - 1) // _WBLK
_VPAD = _NBLK * _WBLK


def _tbody(tt_ref, out_ref):
    for k in range(4):
        sub = tt_ref[:, pl.ds((_WBLK // 4) * k, _WBLK // 4)]
        out_ref[:, pl.ds(EMB_D * k, EMB_D)] = sub.T


_tc_relayout = pl.pallas_call(
    _tbody,
    grid=(_NBLK,),
    in_specs=[pl.BlockSpec((EMB_D, _WBLK), lambda i: (0, i))],
    out_specs=pl.BlockSpec((_WBLK // 4, 4 * EMB_D), lambda i: (i, 0)),
    out_shape=jax.ShapeDtypeStruct((_VPAD // 4, 4 * EMB_D), jnp.float32),
)


def kernel(xs, table):
    b = xs.astype(jnp.int32)
    rem = b % _WBLK
    q = _WBLK // 4
    m = (b - rem) + 4 * (rem % q) + rem // q
    xs_r = m.reshape(NW, BPW * HIST)
    t_rm = _tc_relayout(table.T).reshape(_VPAD, EMB_D)
    return _sc_kernel(xs_r, t_rm)

# --- scband reference (transcript-rebuilt; emitter-appended) ---
"""Pipeline reference for scband-encoder-326417514922 (READ-ONLY COPY).

The authoritative reference and input builder live on the scoring server;
editing this copy changes nothing except your own understanding.
"""

import jax, jax.numpy as jnp
import numpy as np

VOCAB = 1000000
EMBED_DIM = 32
BATCH = 4096
HIST = 200

def setup_inputs(seed: int = 0) -> dict:
    key = jax.random.key(seed)
    k1, k2 = jax.random.split(key)
    xs = jax.random.randint(k1, (BATCH, HIST), 0, VOCAB, dtype=jnp.int64)
    # shared embedding table (learned parameter of shared_lt)
    table = jax.random.normal(k2, (VOCAB, EMBED_DIM), dtype=jnp.float32)
    return {"xs": xs, "table": table}

def reference(xs, table):
    # Encoder.forward with dict=None: xs_emb = lt(xs); xs_emb = xs_emb.mean(1)
    xs_emb = jnp.take(table, xs, axis=0)          # [B, L, D] gather (embedding lookup)
    out = xs_emb.mean(axis=1)                      # mean over sequence dim
    return out

if __name__ == "__main__":
    import jax
    _d = setup_inputs()
    print(jax.jit(kernel)(*tuple(_d.values())))

</pallas_src>

<mosaic_0001>
#map = affine_map<(d0, d1) -> (0, 0)>
module attributes {stable_mosaic.version = 14 : i64} {
  func.func @k(%arg0: i32, %arg1: i32, %arg2: memref<32x25600xi32, #tpu.memory_space<hbm>>, %arg3: memref<1007616x32xf32, #tpu.memory_space<hbm>>, %arg4: memref<4096x32xf32, #tpu.memory_space<hbm>>, %arg5: memref<25600xi32, #tpu.memory_space<vmem>>, %arg6: memref<4x200x32xf32, #tpu.memory_space<vmem>>, %arg7: memref<128x32xf32, #tpu.memory_space<vmem>>, %arg8: memref<!tpu.dma_semaphore, #tpu.memory_space<semaphore_mem>>, %arg9: memref<!tpu.dma_semaphore, #tpu.memory_space<semaphore_mem>>, %arg10: memref<!tpu.dma_semaphore, #tpu.memory_space<semaphore_mem>>, %arg11: memref<!tpu.dma_semaphore, #tpu.memory_space<semaphore_mem>>) attributes {dimension_semantics = [#tpu.dimension_semantics<core_parallel>, #tpu.dimension_semantics<subcore_parallel>], iteration_bounds = array<i64: 2, 16>, scalar_prefetch = 0 : i64, scratch_operands = 7 : i64, tpu.core_type = #tpu.core_type<sc_vector_subcore>, window_params = [{transform_indices = #map}, {transform_indices = #map}, {transform_indices = #map}]} {
    %mul3A = arith.constant 16 : i32
    %mul3A_0 = arith.muli %arg0, %mul3A : i32
    %add3A = arith.addi %mul3A_0, %arg1 : i32
    "tpu.region"() ({
      %run_scoped3A = tpu.sem_alloc : memref<!tpu.dma_semaphore, #tpu.memory_space<semaphore_mem>>
      %dma_start3A_271 = arith.constant 0 : i32
      %dma_start3A_272 = tpu.memref_slice %arg2[%add3A, %dma_start3A_271] : memref<32x25600xi32, #tpu.memory_space<hbm>> -> memref<1x25600xi32, #tpu.memory_space<hbm>>
      %dma_start3A_273 = tpu.memref_squeeze %dma_start3A_272 : memref<1x25600xi32, #tpu.memory_space<hbm>> -> memref<25600xi32, #tpu.memory_space<hbm>>
      %dma_start3A_274 = arith.constant 0 : i32
      %dma_start3A_275 = tpu.memref_slice %arg2[%add3A, %dma_start3A_274] : memref<32x25600xi32, #tpu.memory_space<hbm>> -> memref<1x25600xi32, #tpu.memory_space<hbm>>
      %dma_start3A_276 = tpu.memref_squeeze %dma_start3A_275 : memref<1x25600xi32, #tpu.memory_space<hbm>> -> memref<25600xi32, #tpu.memory_space<hbm>>
      tpu.enqueue_dma source(%dma_start3A_276 : memref<25600xi32, #tpu.memory_space<hbm>>) target(%arg5 : memref<25600xi32, #tpu.memory_space<vmem>>) target_semaphore(%run_scoped3A : memref<!tpu.dma_semaphore, #tpu.memory_space<semaphore_mem>>)
      %dma_wait3A_277 = arith.constant 0 : i32
      %dma_wait3A_278 = tpu.memref_slice %arg2[%add3A, %dma_wait3A_277] : memref<32x25600xi32, #tpu.memory_space<hbm>> -> memref<1x25600xi32, #tpu.memory_space<hbm>>
      %dma_wait3A_279 = tpu.memref_squeeze %dma_wait3A_278 : memref<1x25600xi32, #tpu.memory_space<hbm>> -> memref<25600xi32, #tpu.memory_space<hbm>>
      %dma_wait3A_280 = arith.constant 0 : i32
      %dma_wait3A_281 = tpu.memref_slice %arg2[%add3A, %dma_wait3A_280] : memref<32x25600xi32, #tpu.memory_space<hbm>> -> memref<1x25600xi32, #tpu.memory_space<hbm>>
      %dma_wait3A_282 = tpu.memref_squeeze %dma_wait3A_281 : memref<1x25600xi32, #tpu.memory_space<hbm>> -> memref<25600xi32, #tpu.memory_space<hbm>>
      tpu.wait_dma2 semaphore(%run_scoped3A : memref<!tpu.dma_semaphore, #tpu.memory_space<semaphore_mem>>) src(%dma_wait3A_282 : memref<25600xi32, #tpu.memory_space<hbm>>) dst(%arg5 : memref<25600xi32, #tpu.memory_space<vmem>>)
      tpu.yield
    }) : () -> ()
    %broadcast_in_dim3A = arith.constant 0.000000e+00 : f32
    %broadcast_in_dim3A_1 = vector.broadcast %broadcast_in_dim3A : f32 to vector<16xf32>
    %dma_start3A = arith.constant 0 : i32
    %dma_start3A_2 = arith.constant 0 : i32
    %dma_start3A_3 = arith.constant 0 : i32
    %dma_start3A_4 = tpu.memref_slice %arg6[%dma_start3A, %dma_start3A_2, %dma_start3A_3] : memref<4x200x32xf32, #tpu.memory_space<vmem>> -> memref<1x104x32xf32, #tpu.memory_space<vmem>>
    %dma_start3A_5 = tpu.memref_squeeze %dma_start3A_4 : memref<1x104x32xf32, #tpu.memory_space<vmem>> -> memref<104x32xf32, #tpu.memory_space<vmem>>
    %dma_start3A_6 = arith.constant 0 : i32
    %dma_start3A_7 = tpu.memref_slice %arg5[%dma_start3A_6] : memref<25600xi32, #tpu.memory_space<vmem>> -> memref<104xi32, #tpu.memory_space<vmem>>
    %dma_start3A_8 = arith.constant 0 : i32
    %dma_start3A_9 = arith.constant 0 : i32
    %dma_start3A_10 = tpu.memref_slice %arg3[%dma_start3A_8, %dma_start3A_9] : memref<1007616x32xf32, #tpu.memory_space<hbm>> -> memref<1007616x32xf32, #tpu.memory_space<hbm>>
    tpu.enqueue_indirect_dma source(%dma_start3A_10 : memref<1007616x32xf32, #tpu.memory_space<hbm>>) target(%dma_start3A_5 : memref<104x32xf32, #tpu.memory_space<vmem>>) offsets(%dma_start3A_7 : memref<104xi32, #tpu.memory_space<vmem>>) semaphore(%arg8 : memref<!tpu.dma_semaphore, #tpu.memory_space<semaphore_mem>>)
    %dma_start3A_11 = arith.constant 0 : i32
    %dma_start3A_12 = arith.constant 104 : i32
    %dma_start3A_13 = arith.constant 0 : i32
    %dma_start3A_14 = tpu.memref_slice %arg6[%dma_start3A_11, %dma_start3A_12, %dma_start3A_13] : memref<4x200x32xf32, #tpu.memory_space<vmem>> -> memref<1x96x32xf32, #tpu.memory_space<vmem>>
    %dma_start3A_15 = tpu.memref_squeeze %dma_start3A_14 : memref<1x96x32xf32, #tpu.memory_space<vmem>> -> memref<96x32xf32, #tpu.memory_space<vmem>>
    %dma_start3A_16 = arith.constant 104 : i32
    %dma_start3A_17 = tpu.memref_slice %arg5[%dma_start3A_16] : memref<25600xi32, #tpu.memory_space<vmem>> -> memref<96xi32, #tpu.memory_space<vmem>>
    %dma_start3A_18 = arith.constant 0 : i32
    %dma_start3A_19 = arith.constant 0 : i32
    %dma_start3A_20 = tpu.memref_slice %arg3[%dma_start3A_18, %dma_start3A_19] : memref<1007616x32xf32, #tpu.memory_space<hbm>> -> memref<1007616x32xf32, #tpu.memory_space<hbm>>
    tpu.enqueue_indirect_dma source(%dma_start3A_20 : memref<1007616x32xf32, #tpu.memory_space<hbm>>) target(%dma_start3A_15 : memref<96x32xf32, #tpu.memory_space<vmem>>) offsets(%dma_start3A_17 : memref<96xi32, #tpu.memory_space<vmem>>) semaphore(%arg8 : memref<!tpu.dma_semaphore, #tpu.memory_space<semaphore_mem>>)
    %dma_start3A_21 = arith.constant 1 : i32
    %dma_start3A_22 = arith.constant 0 : i32
    %dma_start3A_23 = arith.constant 0 : i32
    %dma_start3A_24 = tpu.memref_slice %arg6[%dma_start3A_21, %dma_start3A_22, %dma_start3A_23] : memref<4x200x32xf32, #tpu.memory_space<vmem>> -> memref<1x104x32xf32, #tpu.memory_space<vmem>>
    %dma_start3A_25 = tpu.memref_squeeze %dma_start3A_24 : memref<1x104x32xf32, #tpu.memory_space<vmem>> -> memref<104x32xf32, #tpu.memory_space<vmem>>
    %dma_start3A_26 = arith.constant 200 : i32
    %dma_start3A_27 = tpu.memref_slice %arg5[%dma_start3A_26] : memref<25600xi32, #tpu.memory_space<vmem>> -> memref<104xi32, #tpu.memory_space<vmem>>
    %dma_start3A_28 = arith.constant 0 : i32
    %dma_start3A_29 = arith.constant 0 : i32
    %dma_start3A_30 = tpu.memref_slice %arg3[%dma_start3A_28, %dma_start3A_29] : memref<1007616x32xf32, #tpu.memory_space<hbm>> -> memref<1007616x32xf32, #tpu.memory_space<hbm>>
    tpu.enqueue_indirect_dma source(%dma_start3A_30 : memref<1007616x32xf32, #tpu.memory_space<hbm>>) target(%dma_start3A_25 : memref<104x32xf32, #tpu.memory_space<vmem>>) offsets(%dma_start3A_27 : memref<104xi32, #tpu.memory_space<vmem>>) semaphore(%arg9 : memref<!tpu.dma_semaphore, #tpu.memory_space<semaphore_mem>>)
    %dma_start3A_31 = arith.constant 1 : i32
    %dma_start3A_32 = arith.constant 104 : i32
    %dma_start3A_33 = arith.constant 0 : i32
    %dma_start3A_34 = tpu.memref_slice %arg6[%dma_start3A_31, %dma_start3A_32, %dma_start3A_33] : memref<4x200x32xf32, #tpu.memory_space<vmem>> -> memref<1x96x32xf32, #tpu.memory_space<vmem>>
    %dma_start3A_35 = tpu.memref_squeeze %dma_start3A_34 : memref<1x96x32xf32, #tpu.memory_space<vmem>> -> memref<96x32xf32, #tpu.memory_space<vmem>>
    %dma_start3A_36 = arith.constant 304 : i32
    %dma_start3A_37 = tpu.memref_slice %arg5[%dma_start3A_36] : memref<25600xi32, #tpu.memory_space<vmem>> -> memref<96xi32, #tpu.memory_space<vmem>>
    %dma_start3A_38 = arith.constant 0 : i32
    %dma_start3A_39 = arith.constant 0 : i32
    %dma_start3A_40 = tpu.memref_slice %arg3[%dma_start3A_38, %dma_start3A_39] : memref<1007616x32xf32, #tpu.memory_space<hbm>> -> memref<1007616x32xf32, #tpu.memory_space<hbm>>
    tpu.enqueue_indirect_dma source(%dma_start3A_40 : memref<1007616x32xf32, #tpu.memory_space<hbm>>) target(%dma_start3A_35 : memref<96x32xf32, #tpu.memory_space<vmem>>) offsets(%dma_start3A_37 : memref<96xi32, #tpu.memory_space<vmem>>) semaphore(%arg9 : memref<!tpu.dma_semaphore, #tpu.memory_space<semaphore_mem>>)
    %dma_start3A_41 = arith.constant 2 : i32
    %dma_start3A_42 = arith.constant 0 : i32
    %dma_start3A_43 = arith.constant 0 : i32
    %dma_start3A_44 = tpu.memref_slice %arg6[%dma_start3A_41, %dma_start3A_42, %dma_start3A_43] : memref<4x200x32xf32, #tpu.memory_space<vmem>> -> memref<1x104x32xf32, #tpu.memory_space<vmem>>
    %dma_start3A_45 = tpu.memref_squeeze %dma_start3A_44 : memref<1x104x32xf32, #tpu.memory_space<vmem>> -> memref<104x32xf32, #tpu.memory_space<vmem>>
    %dma_start3A_46 = arith.constant 400 : i32
    %dma_start3A_47 = tpu.memref_slice %arg5[%dma_start3A_46] : memref<25600xi32, #tpu.memory_space<vmem>> -> memref<104xi32, #tpu.memory_space<vmem>>
    %dma_start3A_48 = arith.constant 0 : i32
    %dma_start3A_49 = arith.constant 0 : i32
    %dma_start3A_50 = tpu.memref_slice %arg3[%dma_start3A_48, %dma_start3A_49] : memref<1007616x32xf32, #tpu.memory_space<hbm>> -> memref<1007616x32xf32, #tpu.memory_space<hbm>>
    tpu.enqueue_indirect_dma source(%dma_start3A_50 : memref<1007616x32xf32, #tpu.memory_space<hbm>>) target(%dma_start3A_45 : memref<104x32xf32, #tpu.memory_space<vmem>>) offsets(%dma_start3A_47 : memref<104xi32, #tpu.memory_space<vmem>>) semaphore(%arg10 : memref<!tpu.dma_semaphore, #tpu.memory_space<semaphore_mem>>)
    %dma_start3A_51 = arith.constant 2 : i32
    %dma_start3A_52 = arith.constant 104 : i32
    %dma_start3A_53 = arith.constant 0 : i32
    %dma_start3A_54 = tpu.memref_slice %arg6[%dma_start3A_51, %dma_start3A_52, %dma_start3A_53] : memref<4x200x32xf32, #tpu.memory_space<vmem>> -> memref<1x96x32xf32, #tpu.memory_space<vmem>>
    %dma_start3A_55 = tpu.memref_squeeze %dma_start3A_54 : memref<1x96x32xf32, #tpu.memory_space<vmem>> -> memref<96x32xf32, #tpu.memory_space<vmem>>
    %dma_start3A_56 = arith.constant 504 : i32
    %dma_start3A_57 = tpu.memref_slice %arg5[%dma_start3A_56] : memref<25600xi32, #tpu.memory_space<vmem>> -> memref<96xi32, #tpu.memory_space<vmem>>
    %dma_start3A_58 = arith.constant 0 : i32
    %dma_start3A_59 = arith.constant 0 : i32
    %dma_start3A_60 = tpu.memref_slice %arg3[%dma_start3A_58, %dma_start3A_59] : memref<1007616x32xf32, #tpu.memory_space<hbm>> -> memref<1007616x32xf32, #tpu.memory_space<hbm>>
    tpu.enqueue_indirect_dma source(%dma_start3A_60 : memref<1007616x32xf32, #tpu.memory_space<hbm>>) target(%dma_start3A_55 : memref<96x32xf32, #tpu.memory_space<vmem>>) offsets(%dma_start3A_57 : memref<96xi32, #tpu.memory_space<vmem>>) semaphore(%arg10 : memref<!tpu.dma_semaphore, #tpu.memory_space<semaphore_mem>>)
    %dma_start3A_61 = arith.constant 3 : i32
    %dma_start3A_62 = arith.constant 0 : i32
    %dma_start3A_63 = arith.constant 0 : i32
    %dma_start3A_64 = tpu.memref_slice %arg6[%dma_start3A_61, %dma_start3A_62, %dma_start3A_63] : memref<4x200x32xf32, #tpu.memory_space<vmem>> -> memref<1x104x32xf32, #tpu.memory_space<vmem>>
    %dma_start3A_65 = tpu.memref_squeeze %dma_start3A_64 : memref<1x104x32xf32, #tpu.memory_space<vmem>> -> memref<104x32xf32, #tpu.memory_space<vmem>>
    %dma_start3A_66 = arith.constant 600 : i32
    %dma_start3A_67 = tpu.memref_slice %arg5[%dma_start3A_66] : memref<25600xi32, #tpu.memory_space<vmem>> -> memref<104xi32, #tpu.memory_space<vmem>>
    %dma_start3A_68 = arith.constant 0 : i32
    %dma_start3A_69 = arith.constant 0 : i32
    %dma_start3A_70 = tpu.memref_slice %arg3[%dma_start3A_68, %dma_start3A_69] : memref<1007616x32xf32, #tpu.memory_space<hbm>> -> memref<1007616x32xf32, #tpu.memory_space<hbm>>
    tpu.enqueue_indirect_dma source(%dma_start3A_70 : memref<1007616x32xf32, #tpu.memory_space<hbm>>) target(%dma_start3A_65 : memref<104x32xf32, #tpu.memory_space<vmem>>) offsets(%dma_start3A_67 : memref<104xi32, #tpu.memory_space<vmem>>) semaphore(%arg11 : memref<!tpu.dma_semaphore, #tpu.memory_space<semaphore_mem>>)
    %dma_start3A_71 = arith.constant 3 : i32
    %dma_start3A_72 = arith.constant 104 : i32
    %dma_start3A_73 = arith.constant 0 : i32
    %dma_start3A_74 = tpu.memref_slice %arg6[%dma_start3A_71, %dma_start3A_72, %dma_start3A_73] : memref<4x200x32xf32, #tpu.memory_space<vmem>> -> memref<1x96x32xf32, #tpu.memory_space<vmem>>
    %dma_start3A_75 = tpu.memref_squeeze %dma_start3A_74 : memref<1x96x32xf32, #tpu.memory_space<vmem>> -> memref<96x32xf32, #tpu.memory_space<vmem>>
    %dma_start3A_76 = arith.constant 704 : i32
    %dma_start3A_77 = tpu.memref_slice %arg5[%dma_start3A_76] : memref<25600xi32, #tpu.memory_space<vmem>> -> memref<96xi32, #tpu.memory_space<vmem>>
    %dma_start3A_78 = arith.constant 0 : i32
    %dma_start3A_79 = arith.constant 0 : i32
    %dma_start3A_80 = tpu.memref_slice %arg3[%dma_start3A_78, %dma_start3A_79] : memref<1007616x32xf32, #tpu.memory_space<hbm>> -> memref<1007616x32xf32, #tpu.memory_space<hbm>>
    tpu.enqueue_indirect_dma source(%dma_start3A_80 : memref<1007616x32xf32, #tpu.memory_space<hbm>>) target(%dma_start3A_75 : memref<96x32xf32, #tpu.memory_space<vmem>>) offsets(%dma_start3A_77 : memref<96xi32, #tpu.memory_space<vmem>>) semaphore(%arg11 : memref<!tpu.dma_semaphore, #tpu.memory_space<semaphore_mem>>)
    %scan3A = arith.constant 0 : i32
    %scan3A_81 = arith.constant 5.000000e-03 : f32
    %scan3A_82 = arith.constant 0 : i32
    %scan3A_83 = arith.constant 31 : i32
    %scan3A_84 = arith.addi %scan3A_82, %scan3A_83 : i32
    %scan3A_85 = arith.constant 1 : i32
    scf.for %scan3A_271 = %scan3A_82 to %scan3A_84 step %scan3A_85  : i32 {
      %mul3A_272 = arith.constant 4 : i32
      %mul3A_273 = arith.muli %mul3A_272, %scan3A_271 : i32
      %add3A_274 = arith.constant 0 : i32
      %add3A_275 = arith.addi %mul3A_273, %add3A_274 : i32
      %mul3A_276 = arith.constant 200 : i32
      %mul3A_277 = arith.muli %add3A_275, %mul3A_276 : i32
      %mul3A_278 = arith.constant 200 : i32
      %mul3A_279 = arith.muli %add3A_275, %mul3A_278 : i32
      %add3A_280 = arith.constant 104 : i32
      %add3A_281 = arith.addi %mul3A_279, %add3A_280 : i32
      %dma_wait3A_282 = arith.constant 0 : i32
      %dma_wait3A_283 = arith.constant 0 : i32
      %dma_wait3A_284 = arith.constant 0 : i32
      %dma_wait3A_285 = tpu.memref_slice %arg6[%dma_wait3A_282, %dma_wait3A_283, %dma_wait3A_284] : memref<4x200x32xf32, #tpu.memory_space<vmem>> -> memref<1x104x32xf32, #tpu.memory_space<vmem>>
      %dma_wait3A_286 = tpu.memref_squeeze %dma_wait3A_285 : memref<1x104x32xf32, #tpu.memory_space<vmem>> -> memref<104x32xf32, #tpu.memory_space<vmem>>
      %dma_wait3A_287 = tpu.memref_slice %arg5[%mul3A_277] : memref<25600xi32, #tpu.memory_space<vmem>> -> memref<104xi32, #tpu.memory_space<vmem>>
      %dma_wait3A_288 = arith.constant 0 : i32
      %dma_wait3A_289 = arith.constant 0 : i32
      %dma_wait3A_290 = tpu.memref_slice %arg3[%dma_wait3A_288, %dma_wait3A_289] : memref<1007616x32xf32, #tpu.memory_space<hbm>> -> memref<1007616x32xf32, #tpu.memory_space<hbm>>
      tpu.wait_indirect_dma semaphore(%arg8 : memref<!tpu.dma_semaphore, #tpu.memory_space<semaphore_mem>>) src(%dma_wait3A_290 : memref<1007616x32xf32, #tpu.memory_space<hbm>>) dst(%dma_wait3A_286 : memref<104x32xf32, #tpu.memory_space<vmem>>)
      %dma_wait3A_291 = arith.constant 0 : i32
      %dma_wait3A_292 = arith.constant 104 : i32
      %dma_wait3A_293 = arith.constant 0 : i32
      %dma_wait3A_294 = tpu.memref_slice %arg6[%dma_wait3A_291, %dma_wait3A_292, %dma_wait3A_293] : memref<4x200x32xf32, #tpu.memory_space<vmem>> -> memref<1x96x32xf32, #tpu.memory_space<vmem>>
      %dma_wait3A_295 = tpu.memref_squeeze %dma_wait3A_294 : memref<1x96x32xf32, #tpu.memory_space<vmem>> -> memref<96x32xf32, #tpu.memory_space<vmem>>
      %dma_wait3A_296 = tpu.memref_slice %arg5[%add3A_281] : memref<25600xi32, #tpu.memory_space<vmem>> -> memref<96xi32, #tpu.memory_space<vmem>>
      %dma_wait3A_297 = arith.constant 0 : i32
      %dma_wait3A_298 = arith.constant 0 : i32
      %dma_wait3A_299 = tpu.memref_slice %arg3[%dma_wait3A_297, %dma_wait3A_298] : memref<1007616x32xf32, #tpu.memory_space<hbm>> -> memref<1007616x32xf32, #tpu.memory_space<hbm>>
      tpu.wait_indirect_dma semaphore(%arg8 : memref<!tpu.dma_semaphore, #tpu.memory_space<semaphore_mem>>) src(%dma_wait3A_299 : memref<1007616x32xf32, #tpu.memory_space<hbm>>) dst(%dma_wait3A_295 : memref<96x32xf32, #tpu.memory_space<vmem>>)
      %add3A_300 = arith.constant 0 : i32
      %add3A_301 = arith.addi %mul3A_273, %add3A_300 : i32
      %scan3A_302 = arith.constant 0 : i32
      %scan3A_303 = arith.constant 25 : i32
      %scan3A_304 = arith.addi %scan3A_302, %scan3A_303 : i32
      %scan3A_305 = arith.constant 1 : i32
      %scan3A_306:4 = scf.for %scan3A_586 = %scan3A_302 to %scan3A_304 step %scan3A_305 iter_args(%scan3A_587 = %broadcast_in_dim3A_1, %scan3A_588 = %broadcast_in_dim3A_1, %scan3A_589 = %broadcast_in_dim3A_1, %scan3A_590 = %broadcast_in_dim3A_1) -> (vector<16xf32>, vector<16xf32>, vector<16xf32>, vector<16xf32>)  : i32 {
        %mul3A_591 = arith.constant 8 : i32
        %mul3A_592 = arith.muli %scan3A_586, %mul3A_591 : i32
        %add3A_593 = arith.constant 0 : i32
        %add3A_594 = arith.addi %mul3A_592, %add3A_593 : i32
        %get3A = arith.constant 0 : i32
        %get3A_595 = arith.index_cast %get3A : i32 to index
        %get3A_596 = arith.index_cast %add3A_594 : i32 to index
        %get3A_597 = arith.constant 0 : index
        %get3A_598 = tpu.vector_load %arg6[%get3A_595, %get3A_596, %get3A_597] {strides = array<i32>} : memref<4x200x32xf32, #tpu.memory_space<vmem>>, vector<1x1x16xf32>,
        %get3A_599 = vector.shape_cast %get3A_598 : vector<1x1x16xf32> to vector<16xf32>
        %add3A_600 = arith.addf %scan3A_587, %get3A_599 : vector<16xf32>
        %add3A_601 = arith.constant 0 : i32
        %add3A_602 = arith.addi %mul3A_592, %add3A_601 : i32
        %get3A_603 = arith.constant 0 : i32
        %get3A_604 = arith.index_cast %get3A_603 : i32 to index
        %get3A_605 = arith.index_cast %add3A_602 : i32 to index
        %get3A_606 = arith.constant 16 : index
        %get3A_607 = tpu.vector_load %arg6[%get3A_604, %get3A_605, %get3A_606] {strides = array<i32>} : memref<4x200x32xf32, #tpu.memory_space<vmem>>, vector<1x1x16xf32>,
        %get3A_608 = vector.shape_cast %get3A_607 : vector<1x1x16xf32> to vector<16xf32>
        %add3A_609 = arith.addf %scan3A_589, %get3A_608 : vector<16xf32>
        %add3A_610 = arith.constant 0 : i32
        %add3A_611 = arith.addi %mul3A_592, %add3A_610 : i32
        %add3A_612 = arith.constant 1 : i32
        %add3A_613 = arith.addi %add3A_611, %add3A_612 : i32
        %get3A_614 = arith.constant 0 : i32
        %get3A_615 = arith.index_cast %get3A_614 : i32 to index
        %get3A_616 = arith.index_cast %add3A_613 : i32 to index
        %get3A_617 = arith.constant 0 : index
        %get3A_618 = tpu.vector_load %arg6[%get3A_615, %get3A_616, %get3A_617] {strides = array<i32>} : memref<4x200x32xf32, #tpu.memory_space<vmem>>, vector<1x1x16xf32>,
        %get3A_619 = vector.shape_cast %get3A_618 : vector<1x1x16xf32> to vector<16xf32>
        %add3A_620 = arith.addf %scan3A_588, %get3A_619 : vector<16xf32>
        %add3A_621 = arith.constant 0 : i32
        %add3A_622 = arith.addi %mul3A_592, %add3A_621 : i32
        %add3A_623 = arith.constant 1 : i32
        %add3A_624 = arith.addi %add3A_622, %add3A_623 : i32
        %get3A_625 = arith.constant 0 : i32
        %get3A_626 = arith.index_cast %get3A_625 : i32 to index
        %get3A_627 = arith.index_cast %add3A_624 : i32 to index
        %get3A_628 = arith.constant 16 : index
        %get3A_629 = tpu.vector_load %arg6[%get3A_626, %get3A_627, %get3A_628] {strides = array<i32>} : memref<4x200x32xf32, #tpu.memory_space<vmem>>, vector<1x1x16xf32>,
        %get3A_630 = vector.shape_cast %get3A_629 : vector<1x1x16xf32> to vector<16xf32>
        %add3A_631 = arith.addf %scan3A_590, %get3A_630 : vector<16xf32>
        %add3A_632 = arith.constant 2 : i32
        %add3A_633 = arith.addi %mul3A_592, %add3A_632 : i32
        %get3A_634 = arith.constant 0 : i32
        %get3A_635 = arith.index_cast %get3A_634 : i32 to index
        %get3A_636 = arith.index_cast %add3A_633 : i32 to index
        %get3A_637 = arith.constant 0 : index
        %get3A_638 = tpu.vector_load %arg6[%get3A_635, %get3A_636, %get3A_637] {strides = array<i32>} : memref<4x200x32xf32, #tpu.memory_space<vmem>>, vector<1x1x16xf32>,
        %get3A_639 = vector.shape_cast %get3A_638 : vector<1x1x16xf32> to vector<16xf32>
        %add3A_640 = arith.addf %add3A_600, %get3A_639 : vector<16xf32>
        %add3A_641 = arith.constant 2 : i32
        %add3A_642 = arith.addi %mul3A_592, %add3A_641 : i32
        %get3A_643 = arith.constant 0 : i32
        %get3A_644 = arith.index_cast %get3A_643 : i32 to index
        %get3A_645 = arith.index_cast %add3A_642 : i32 to index
        %get3A_646 = arith.constant 16 : index
        %get3A_647 = tpu.vector_load %arg6[%get3A_644, %get3A_645, %get3A_646] {strides = array<i32>} : memref<4x200x32xf32, #tpu.memory_space<vmem>>, vector<1x1x16xf32>,
        %get3A_648 = vector.shape_cast %get3A_647 : vector<1x1x16xf32> to vector<16xf32>
        %add3A_649 = arith.addf %add3A_609, %get3A_648 : vector<16xf32>
        %add3A_650 = arith.constant 2 : i32
        %add3A_651 = arith.addi %mul3A_592, %add3A_650 : i32
        %add3A_652 = arith.constant 1 : i32
        %add3A_653 = arith.addi %add3A_651, %add3A_652 : i32
        %get3A_654 = arith.constant 0 : i32
        %get3A_655 = arith.index_cast %get3A_654 : i32 to index
        %get3A_656 = arith.index_cast %add3A_653 : i32 to index
        %get3A_657 = arith.constant 0 : index
        %get3A_658 = tpu.vector_load %arg6[%get3A_655, %get3A_656, %get3A_657] {strides = array<i32>} : memref<4x200x32xf32, #tpu.memory_space<vmem>>, vector<1x1x16xf32>,
        %get3A_659 = vector.shape_cast %get3A_658 : vector<1x1x16xf32> to vector<16xf32>
        %add3A_660 = arith.addf %add3A_620, %get3A_659 : vector<16xf32>
        %add3A_661 = arith.constant 2 : i32
        %add3A_662 = arith.addi %mul3A_592, %add3A_661 : i32
        %add3A_663 = arith.constant 1 : i32
        %add3A_664 = arith.addi %add3A_662, %add3A_663 : i32
        %get3A_665 = arith.constant 0 : i32
        %get3A_666 = arith.index_cast %get3A_665 : i32 to index
        %get3A_667 = arith.index_cast %add3A_664 : i32 to index
        %get3A_668 = arith.constant 16 : index
        %get3A_669 = tpu.vector_load %arg6[%get3A_666, %get3A_667, %get3A_668] {strides = array<i32>} : memref<4x200x32xf32, #tpu.memory_space<vmem>>, vector<1x1x16xf32>,
        %get3A_670 = vector.shape_cast %get3A_669 : vector<1x1x16xf32> to vector<16xf32>
        %add3A_671 = arith.addf %add3A_631, %get3A_670 : vector<16xf32>
        %add3A_672 = arith.constant 4 : i32
        %add3A_673 = arith.addi %mul3A_592, %add3A_672 : i32
        %get3A_674 = arith.constant 0 : i32
        %get3A_675 = arith.index_cast %get3A_674 : i32 to index
        %get3A_676 = arith.index_cast %add3A_673 : i32 to index
        %get3A_677 = arith.constant 0 : index
        %get3A_678 = tpu.vector_load %arg6[%get3A_675, %get3A_676, %get3A_677] {strides = array<i32>} : memref<4x200x32xf32, #tpu.memory_space<vmem>>, vector<1x1x16xf32>,
        %get3A_679 = vector.shape_cast %get3A_678 : vector<1x1x16xf32> to vector<16xf32>
        %add3A_680 = arith.addf %add3A_640, %get3A_679 : vector<16xf32>
        %add3A_681 = arith.constant 4 : i32
        %add3A_682 = arith.addi %mul3A_592, %add3A_681 : i32
        %get3A_683 = arith.constant 0 : i32
        %get3A_684 = arith.index_cast %get3A_683 : i32 to index
        %get3A_685 = arith.index_cast %add3A_682 : i32 to index
        %get3A_686 = arith.constant 16 : index
        %get3A_687 = tpu.vector_load %arg6[%get3A_684, %get3A_685, %get3A_686] {strides = array<i32>} : memref<4x200x32xf32, #tpu.memory_space<vmem>>, vector<1x1x16xf32>,
        %get3A_688 = vector.shape_cast %get3A_687 : vector<1x1x16xf32> to vector<16xf32>
        %add3A_689 = arith.addf %add3A_649, %get3A_688 : vector<16xf32>
        %add3A_690 = arith.constant 4 : i32
        %add3A_691 = arith.addi %mul3A_592, %add3A_690 : i32
        %add3A_692 = arith.constant 1 : i32
        %add3A_693 = arith.addi %add3A_691, %add3A_692 : i32
        %get3A_694 = arith.constant 0 : i32
        %get3A_695 = arith.index_cast %get3A_694 : i32 to index
        %get3A_696 = arith.index_cast %add3A_693 : i32 to index
        %get3A_697 = arith.constant 0 : index
        %get3A_698 = tpu.vector_load %arg6[%get3A_695, %get3A_696, %get3A_697] {strides = array<i32>} : memref<4x200x32xf32, #tpu.memory_space<vmem>>, vector<1x1x16xf32>,
        %get3A_699 = vector.shape_cast %get3A_698 : vector<1x1x16xf32> to vector<16xf32>
        %add3A_700 = arith.addf %add3A_660, %get3A_699 : vector<16xf32>
        %add3A_701 = arith.constant 4 : i32
        %add3A_702 = arith.addi %mul3A_592, %add3A_701 : i32
        %add3A_703 = arith.constant 1 : i32
        %add3A_704 = arith.addi %add3A_702, %add3A_703 : i32
        %get3A_705 = arith.constant 0 : i32
        %get3A_706 = arith.index_cast %get3A_705 : i32 to index
        %get3A_707 = arith.index_cast %add3A_704 : i32 to index
        %get3A_708 = arith.constant 16 : index
        %get3A_709 = tpu.vector_load %arg6[%get3A_706, %get3A_707, %get3A_708] {strides = array<i32>} : memref<4x200x32xf32, #tpu.memory_space<vmem>>, vector<1x1x16xf32>,
        %get3A_710 = vector.shape_cast %get3A_709 : vector<1x1x16xf32> to vector<16xf32>
        %add3A_711 = arith.addf %add3A_671, %get3A_710 : vector<16xf32>
        %add3A_712 = arith.constant 6 : i32
        %add3A_713 = arith.addi %mul3A_592, %add3A_712 : i32
        %get3A_714 = arith.constant 0 : i32
        %get3A_715 = arith.index_cast %get3A_714 : i32 to index
        %get3A_716 = arith.index_cast %add3A_713 : i32 to index
        %get3A_717 = arith.constant 0 : index
        %get3A_718 = tpu.vector_load %arg6[%get3A_715, %get3A_716, %get3A_717] {strides = array<i32>} : memref<4x200x32xf32, #tpu.memory_space<vmem>>, vector<1x1x16xf32>,
        %get3A_719 = vector.shape_cast %get3A_718 : vector<1x1x16xf32> to vector<16xf32>
        %add3A_720 = arith.addf %add3A_680, %get3A_719 : vector<16xf32>
        %add3A_721 = arith.constant 6 : i32
        %add3A_722 = arith.addi %mul3A_592, %add3A_721 : i32
        %get3A_723 = arith.constant 0 : i32
        %get3A_724 = arith.index_cast %get3A_723 : i32 to index
        %get3A_725 = arith.index_cast %add3A_722 : i32 to index
        %get3A_726 = arith.constant 16 : index
        %get3A_727 = tpu.vector_load %arg6[%get3A_724, %get3A_725, %get3A_726] {strides = array<i32>} : memref<4x200x32xf32, #tpu.memory_space<vmem>>, vector<1x1x16xf32>,
        %get3A_728 = vector.shape_cast %get3A_727 : vector<1x1x16xf32> to vector<16xf32>
        %add3A_729 = arith.addf %add3A_689, %get3A_728 : vector<16xf32>
        %add3A_730 = arith.constant 6 : i32
        %add3A_731 = arith.addi %mul3A_592, %add3A_730 : i32
        %add3A_732 = arith.constant 1 : i32
        %add3A_733 = arith.addi %add3A_731, %add3A_732 : i32
        %get3A_734 = arith.constant 0 : i32
        %get3A_735 = arith.index_cast %get3A_734 : i32 to index
        %get3A_736 = arith.index_cast %add3A_733 : i32 to index
        %get3A_737 = arith.constant 0 : index
        %get3A_738 = tpu.vector_load %arg6[%get3A_735, %get3A_736, %get3A_737] {strides = array<i32>} : memref<4x200x32xf32, #tpu.memory_space<vmem>>, vector<1x1x16xf32>,
        %get3A_739 = vector.shape_cast %get3A_738 : vector<1x1x16xf32> to vector<16xf32>
        %add3A_740 = arith.addf %add3A_700, %get3A_739 : vector<16xf32>
        %add3A_741 = arith.constant 6 : i32
        %add3A_742 = arith.addi %mul3A_592, %add3A_741 : i32
        %add3A_743 = arith.constant 1 : i32
        %add3A_744 = arith.addi %add3A_742, %add3A_743 : i32
        %get3A_745 = arith.constant 0 : i32
        %get3A_746 = arith.index_cast %get3A_745 : i32 to index
        %get3A_747 = arith.index_cast %add3A_744 : i32 to index
        %get3A_748 = arith.constant 16 : index
        %get3A_749 = tpu.vector_load %arg6[%get3A_746, %get3A_747, %get3A_748] {strides = array<i32>} : memref<4x200x32xf32, #tpu.memory_space<vmem>>, vector<1x1x16xf32>,
        %get3A_750 = vector.shape_cast %get3A_749 : vector<1x1x16xf32> to vector<16xf32>
        %add3A_751 = arith.addf %add3A_711, %get3A_750 : vector<16xf32>
        scf.yield %add3A_720, %add3A_740, %add3A_729, %add3A_751 : vector<16xf32>, vector<16xf32>, vector<16xf32>, vector<16xf32>
      }
      %scan3A_307 = arith.constant 25 : i32
      %add3A_308 = arith.addf %scan3A_306#0, %scan3A_306#1 : vector<16xf32>
      %mul3A_309 = vector.broadcast %scan3A_81 : f32 to vector<16xf32>
      %mul3A_310 = arith.mulf %add3A_308, %mul3A_309 : vector<16xf32>
      %swap3A_311 = arith.index_cast %add3A_301 : i32 to index
      %swap3A_312 = arith.constant 0 : index
      %swap3A_313 = tpu.vector_load %arg7[%swap3A_311, %swap3A_312] {strides = array<i32>} : memref<128x32xf32, #tpu.memory_space<vmem>>, vector<1x16xf32>,
      %swap3A_314 = vector.shape_cast %swap3A_313 : vector<1x16xf32> to vector<16xf32>
      %swap3A_315 = vector.shape_cast %mul3A_310 : vector<16xf32> to vector<1x16xf32>
      tpu.vector_store %arg7[%swap3A_311, %swap3A_312], %swap3A_315 {strides = array<i32>} : memref<128x32xf32, #tpu.memory_space<vmem>>, vector<1x16xf32>,
      %add3A_316 = arith.addf %scan3A_306#2, %scan3A_306#3 : vector<16xf32>
      %mul3A_317 = vector.broadcast %scan3A_81 : f32 to vector<16xf32>
      %mul3A_318 = arith.mulf %add3A_316, %mul3A_317 : vector<16xf32>
      %swap3A_319 = arith.index_cast %add3A_301 : i32 to index
      %swap3A_320 = arith.constant 16 : index
      %swap3A_321 = tpu.vector_load %arg7[%swap3A_319, %swap3A_320] {strides = array<i32>} : memref<128x32xf32, #tpu.memory_space<vmem>>, vector<1x16xf32>,
      %swap3A_322 = vector.shape_cast %swap3A_321 : vector<1x16xf32> to vector<16xf32>
      %swap3A_323 = vector.shape_cast %mul3A_318 : vector<16xf32> to vector<1x16xf32>
      tpu.vector_store %arg7[%swap3A_319, %swap3A_320], %swap3A_323 {strides = array<i32>} : memref<128x32xf32, #tpu.memory_space<vmem>>, vector<1x16xf32>,
      %add3A_324 = arith.constant 4 : i32
      %add3A_325 = arith.addi %mul3A_273, %add3A_324 : i32
      %add3A_326 = arith.constant 0 : i32
      %add3A_327 = arith.addi %add3A_325, %add3A_326 : i32
      %mul3A_328 = arith.constant 200 : i32
      %mul3A_329 = arith.muli %add3A_327, %mul3A_328 : i32
      %mul3A_330 = arith.constant 200 : i32
      %mul3A_331 = arith.muli %add3A_327, %mul3A_330 : i32
      %add3A_332 = arith.constant 104 : i32
      %add3A_333 = arith.addi %mul3A_331, %add3A_332 : i32
      %dma_start3A_334 = arith.constant 0 : i32
      %dma_start3A_335 = arith.constant 0 : i32
      %dma_start3A_336 = arith.constant 0 : i32
      %dma_start3A_337 = tpu.memref_slice %arg6[%dma_start3A_334, %dma_start3A_335, %dma_start3A_336] : memref<4x200x32xf32, #tpu.memory_space<vmem>> -> memref<1x104x32xf32, #tpu.memory_space<vmem>>
      %dma_start3A_338 = tpu.memref_squeeze %dma_start3A_337 : memref<1x104x32xf32, #tpu.memory_space<vmem>> -> memref<104x32xf32, #tpu.memory_space<vmem>>
      %dma_start3A_339 = tpu.memref_slice %arg5[%mul3A_329] : memref<25600xi32, #tpu.memory_space<vmem>> -> memref<104xi32, #tpu.memory_space<vmem>>
      %dma_start3A_340 = arith.constant 0 : i32
      %dma_start3A_341 = arith.constant 0 : i32
      %dma_start3A_342 = tpu.memref_slice %arg3[%dma_start3A_340, %dma_start3A_341] : memref<1007616x32xf32, #tpu.memory_space<hbm>> -> memref<1007616x32xf32, #tpu.memory_space<hbm>>
      tpu.enqueue_indirect_dma source(%dma_start3A_342 : memref<1007616x32xf32, #tpu.memory_space<hbm>>) target(%dma_start3A_338 : memref<104x32xf32, #tpu.memory_space<vmem>>) offsets(%dma_start3A_339 : memref<104xi32, #tpu.memory_space<vmem>>) semaphore(%arg8 : memref<!tpu.dma_semaphore, #tpu.memory_space<semaphore_mem>>)
      %dma_start3A_343 = arith.constant 0 : i32
      %dma_start3A_344 = arith.constant 104 : i32
      %dma_start3A_345 = arith.constant 0 : i32
      %dma_start3A_346 = tpu.memref_slice %arg6[%dma_start3A_343, %dma_start3A_344, %dma_start3A_345] : memref<4x200x32xf32, #tpu.memory_space<vmem>> -> memref<1x96x32xf32, #tpu.memory_space<vmem>>
      %dma_start3A_347 = tpu.memref_squeeze %dma_start3A_346 : memref<1x96x32xf32, #tpu.memory_space<vmem>> -> memref<96x32xf32, #tpu.memory_space<vmem>>
      %dma_start3A_348 = tpu.memref_slice %arg5[%add3A_333] : memref<25600xi32, #tpu.memory_space<vmem>> -> memref<96xi32, #tpu.memory_space<vmem>>
      %dma_start3A_349 = arith.constant 0 : i32
      %dma_start3A_350 = arith.constant 0 : i32
      %dma_start3A_351 = tpu.memref_slice %arg3[%dma_start3A_349, %dma_start3A_350] : memref<1007616x32xf32, #tpu.memory_space<hbm>> -> memref<1007616x32xf32, #tpu.memory_space<hbm>>
      tpu.enqueue_indirect_dma source(%dma_start3A_351 : memref<1007616x32xf32, #tpu.memory_space<hbm>>) target(%dma_start3A_347 : memref<96x32xf32, #tpu.memory_space<vmem>>) offsets(%dma_start3A_348 : memref<96xi32, #tpu.memory_space<vmem>>) semaphore(%arg8 : memref<!tpu.dma_semaphore, #tpu.memory_space<semaphore_mem>>)
      %add3A_352 = arith.constant 1 : i32
      %add3A_353 = arith.addi %mul3A_273, %add3A_352 : i32
      %mul3A_354 = arith.constant 200 : i32
      %mul3A_355 = arith.muli %add3A_353, %mul3A_354 : i32
      %mul3A_356 = arith.constant 200 : i32
      %mul3A_357 = arith.muli %add3A_353, %mul3A_356 : i32
      %add3A_358 = arith.constant 104 : i32
      %add3A_359 = arith.addi %mul3A_357, %add3A_358 : i32
      %dma_wait3A_360 = arith.constant 1 : i32
      %dma_wait3A_361 = arith.constant 0 : i32
      %dma_wait3A_362 = arith.constant 0 : i32
      %dma_wait3A_363 = tpu.memref_slice %arg6[%dma_wait3A_360, %dma_wait3A_361, %dma_wait3A_362] : memref<4x200x32xf32, #tpu.memory_space<vmem>> -> memref<1x104x32xf32, #tpu.memory_space<vmem>>
      %dma_wait3A_364 = tpu.memref_squeeze %dma_wait3A_363 : memref<1x104x32xf32, #tpu.memory_space<vmem>> -> memref<104x32xf32, #tpu.memory_space<vmem>>
      %dma_wait3A_365 = tpu.memref_slice %arg5[%mul3A_355] : memref<25600xi32, #tpu.memory_space<vmem>> -> memref<104xi32, #tpu.memory_space<vmem>>
      %dma_wait3A_366 = arith.constant 0 : i32
      %dma_wait3A_367 = arith.constant 0 : i32
      %dma_wait3A_368 = tpu.memref_slice %arg3[%dma_wait3A_366, %dma_wait3A_367] : memref<1007616x32xf32, #tpu.memory_space<hbm>> -> memref<1007616x32xf32, #tpu.memory_space<hbm>>
      tpu.wait_indirect_dma semaphore(%arg9 : memref<!tpu.dma_semaphore, #tpu.memory_space<semaphore_mem>>) src(%dma_wait3A_368 : memref<1007616x32xf32, #tpu.memory_space<hbm>>) dst(%dma_wait3A_364 : memref<104x32xf32, #tpu.memory_space<vmem>>)
      %dma_wait3A_369 = arith.constant 1 : i32
      %dma_wait3A_370 = arith.constant 104 : i32
      %dma_wait3A_371 = arith.constant 0 : i32
      %dma_wait3A_372 = tpu.memref_slice %arg6[%dma_wait3A_369, %dma_wait3A_370, %dma_wait3A_371] : memref<4x200x32xf32, #tpu.memory_space<vmem>> -> memref<1x96x32xf32, #tpu.memory_space<vmem>>
      %dma_wait3A_373 = tpu.memref_squeeze %dma_wait3A_372 : memref<1x96x32xf32, #tpu.memory_space<vmem>> -> memref<96x32xf32, #tpu.memory_space<vmem>>
      %dma_wait3A_374 = tpu.memref_slice %arg5[%add3A_359] : memref<25600xi32, #tpu.memory_space<vmem>> -> memref<96xi32, #tpu.memory_space<vmem>>
      %dma_wait3A_375 = arith.constant 0 : i32
      %dma_wait3A_376 = arith.constant 0 : i32
      %dma_wait3A_377 = tpu.memref_slice %arg3[%dma_wait3A_375, %dma_wait3A_376] : memref<1007616x32xf32, #tpu.memory_space<hbm>> -> memref<1007616x32xf32, #tpu.memory_space<hbm>>
      tpu.wait_indirect_dma semaphore(%arg9 : memref<!tpu.dma_semaphore, #tpu.memory_space<semaphore_mem>>) src(%dma_wait3A_377 : memref<1007616x32xf32, #tpu.memory_space<hbm>>) dst(%dma_wait3A_373 : memref<96x32xf32, #tpu.memory_space<vmem>>)
      %add3A_378 = arith.constant 1 : i32
      %add3A_379 = arith.addi %mul3A_273, %add3A_378 : i32
      %scan3A_380 = arith.constant 0 : i32
      %scan3A_381 = arith.constant 25 : i32
      %scan3A_382 = arith.addi %scan3A_380, %scan3A_381 : i32
      %scan3A_383 = arith.constant 1 : i32
      %scan3A_384:4 = scf.for %scan3A_586 = %scan3A_380 to %scan3A_382 step %scan3A_383 iter_args(%scan3A_587 = %broadcast_in_dim3A_1, %scan3A_588 = %broadcast_in_dim3A_1, %scan3A_589 = %broadcast_in_dim3A_1, %scan3A_590 = %broadcast_in_dim3A_1) -> (vector<16xf32>, vector<16xf32>, vector<16xf32>, vector<16xf32>)  : i32 {
        %mul3A_591 = arith.constant 8 : i32
        %mul3A_592 = arith.muli %scan3A_586, %mul3A_591 : i32
        %add3A_593 = arith.constant 0 : i32
        %add3A_594 = arith.addi %mul3A_592, %add3A_593 : i32
        %get3A = arith.constant 1 : i32
        %get3A_595 = arith.index_cast %get3A : i32 to index
        %get3A_596 = arith.index_cast %add3A_594 : i32 to index
        %get3A_597 = arith.constant 0 : index
        %get3A_598 = tpu.vector_load %arg6[%get3A_595, %get3A_596, %get3A_597] {strides = array<i32>} : memref<4x200x32xf32, #tpu.memory_space<vmem>>, vector<1x1x16xf32>,
        %get3A_599 = vector.shape_cast %get3A_598 : vector<1x1x16xf32> to vector<16xf32>
        %add3A_600 = arith.addf %scan3A_587, %get3A_599 : vector<16xf32>
        %add3A_601 = arith.constant 0 : i32
        %add3A_602 = arith.addi %mul3A_592, %add3A_601 : i32
        %get3A_603 = arith.constant 1 : i32
        %get3A_604 = arith.index_cast %get3A_603 : i32 to index
        %get3A_605 = arith.index_cast %add3A_602 : i32 to index
        %get3A_606 = arith.constant 16 : index
        %get3A_607 = tpu.vector_load %arg6[%get3A_604, %get3A_605, %get3A_606] {strides = array<i32>} : memref<4x200x32xf32, #tpu.memory_space<vmem>>, vector<1x1x16xf32>,
        %get3A_608 = vector.shape_cast %get3A_607 : vector<1x1x16xf32> to vector<16xf32>
        %add3A_609 = arith.addf %scan3A_589, %get3A_608 : vector<16xf32>
        %add3A_610 = arith.constant 0 : i32
        %add3A_611 = arith.addi %mul3A_592, %add3A_610 : i32
        %add3A_612 = arith.constant 1 : i32
        %add3A_613 = arith.addi %add3A_611, %add3A_612 : i32
        %get3A_614 = arith.constant 1 : i32
        %get3A_615 = arith.index_cast %get3A_614 : i32 to index
        %get3A_616 = arith.index_cast %add3A_613 : i32 to index
        %get3A_617 = arith.constant 0 : index
        %get3A_618 = tpu.vector_load %arg6[%get3A_615, %get3A_616, %get3A_617] {strides = array<i32>} : memref<4x200x32xf32, #tpu.memory_space<vmem>>, vector<1x1x16xf32>,
        %get3A_619 = vector.shape_cast %get3A_618 : vector<1x1x16xf32> to vector<16xf32>
        %add3A_620 = arith.addf %scan3A_588, %get3A_619 : vector<16xf32>
        %add3A_621 = arith.constant 0 : i32
        %add3A_622 = arith.addi %mul3A_592, %add3A_621 : i32
        %add3A_623 = arith.constant 1 : i32
        %add3A_624 = arith.addi %add3A_622, %add3A_623 : i32
        %get3A_625 = arith.constant 1 : i32
        %get3A_626 = arith.index_cast %get3A_625 : i32 to index
        %get3A_627 = arith.index_cast %add3A_624 : i32 to index
        %get3A_628 = arith.constant 16 : index
        %get3A_629 = tpu.vector_load %arg6[%get3A_626, %get3A_627, %get3A_628] {strides = array<i32>} : memref<4x200x32xf32, #tpu.memory_space<vmem>>, vector<1x1x16xf32>,
        %get3A_630 = vector.shape_cast %get3A_629 : vector<1x1x16xf32> to vector<16xf32>
        %add3A_631 = arith.addf %scan3A_590, %get3A_630 : vector<16xf32>
        %add3A_632 = arith.constant 2 : i32
        %add3A_633 = arith.addi %mul3A_592, %add3A_632 : i32
        %get3A_634 = arith.constant 1 : i32
        %get3A_635 = arith.index_cast %get3A_634 : i32 to index
        %get3A_636 = arith.index_cast %add3A_633 : i32 to index
        %get3A_637 = arith.constant 0 : index
        %get3A_638 = tpu.vector_load %arg6[%get3A_635, %get3A_636, %get3A_637] {strides = array<i32>} : memref<4x200x32xf32, #tpu.memory_space<vmem>>, vector<1x1x16xf32>,
        %get3A_639 = vector.shape_cast %get3A_638 : vector<1x1x16xf32> to vector<16xf32>
        %add3A_640 = arith.addf %add3A_600, %get3A_639 : vector<16xf32>
        %add3A_641 = arith.constant 2 : i32
        %add3A_642 = arith.addi %mul3A_592, %add3A_641 : i32
        %get3A_643 = arith.constant 1 : i32
        %get3A_644 = arith.index_cast %get3A_643 : i32 to index
        %get3A_645 = arith.index_cast %add3A_642 : i32 to index
        %get3A_646 = arith.constant 16 : index
        %get3A_647 = tpu.vector_load %arg6[%get3A_644, %get3A_645, %get3A_646] {strides = array<i32>} : memref<4x200x32xf32, #tpu.memory_space<vmem>>, vector<1x1x16xf32>,
        %get3A_648 = vector.shape_cast %get3A_647 : vector<1x1x16xf32> to vector<16xf32>
        %add3A_649 = arith.addf %add3A_609, %get3A_648 : vector<16xf32>
        %add3A_650 = arith.constant 2 : i32
        %add3A_651 = arith.addi %mul3A_592, %add3A_650 : i32
        %add3A_652 = arith.constant 1 : i32
        %add3A_653 = arith.addi %add3A_651, %add3A_652 : i32
        %get3A_654 = arith.constant 1 : i32
        %get3A_655 = arith.index_cast %get3A_654 : i32 to index
        %get3A_656 = arith.index_cast %add3A_653 : i32 to index
        %get3A_657 = arith.constant 0 : index
        %get3A_658 = tpu.vector_load %arg6[%get3A_655, %get3A_656, %get3A_657] {strides = array<i32>} : memref<4x200x32xf32, #tpu.memory_space<vmem>>, vector<1x1x16xf32>,
        %get3A_659 = vector.shape_cast %get3A_658 : vector<1x1x16xf32> to vector<16xf32>
        %add3A_660 = arith.addf %add3A_620, %get3A_659 : vector<16xf32>
        %add3A_661 = arith.constant 2 : i32
        %add3A_662 = arith.addi %mul3A_592, %add3A_661 : i32
        %add3A_663 = arith.constant 1 : i32
        %add3A_664 = arith.addi %add3A_662, %add3A_663 : i32
        %get3A_665 = arith.constant 1 : i32
        %get3A_666 = arith.index_cast %get3A_665 : i32 to index
        %get3A_667 = arith.index_cast %add3A_664 : i32 to index
        %get3A_668 = arith.constant 16 : index
        %get3A_669 = tpu.vector_load %arg6[%get3A_666, %get3A_667, %get3A_668] {strides = array<i32>} : memref<4x200x32xf32, #tpu.memory_space<vmem>>, vector<1x1x16xf32>,
        %get3A_670 = vector.shape_cast %get3A_669 : vector<1x1x16xf32> to vector<16xf32>
        %add3A_671 = arith.addf %add3A_631, %get3A_670 : vector<16xf32>
        %add3A_672 = arith.constant 4 : i32
        %add3A_673 = arith.addi %mul3A_592, %add3A_672 : i32
        %get3A_674 = arith.constant 1 : i32
        %get3A_675 = arith.index_cast %get3A_674 : i32 to index
        %get3A_676 = arith.index_cast %add3A_673 : i32 to index
        %get3A_677 = arith.constant 0 : index
        %get3A_678 = tpu.vector_load %arg6[%get3A_675, %get3A_676, %get3A_677] {strides = array<i32>} : memref<4x200x32xf32, #tpu.memory_space<vmem>>, vector<1x1x16xf32>,
        %get3A_679 = vector.shape_cast %get3A_678 : vector<1x1x16xf32> to vector<16xf32>
        %add3A_680 = arith.addf %add3A_640, %get3A_679 : vector<16xf32>
        %add3A_681 = arith.constant 4 : i32
        %add3A_682 = arith.addi %mul3A_592, %add3A_681 : i32
        %get3A_683 = arith.constant 1 : i32
        %get3A_684 = arith.index_cast %get3A_683 : i32 to index
        %get3A_685 = arith.index_cast %add3A_682 : i32 to index
        %get3A_686 = arith.constant 16 : index
        %get3A_687 = tpu.vector_load %arg6[%get3A_684, %get3A_685, %get3A_686] {strides = array<i32>} : memref<4x200x32xf32, #tpu.memory_space<vmem>>, vector<1x1x16xf32>,
        %get3A_688 = vector.shape_cast %get3A_687 : vector<1x1x16xf32> to vector<16xf32>
        %add3A_689 = arith.addf %add3A_649, %get3A_688 : vector<16xf32>
        %add3A_690 = arith.constant 4 : i32
        %add3A_691 = arith.addi %mul3A_592, %add3A_690 : i32
        %add3A_692 = arith.constant 1 : i32
        %add3A_693 = arith.addi %add3A_691, %add3A_692 : i32
        %get3A_694 = arith.constant 1 : i32
        %get3A_695 = arith.index_cast %get3A_694 : i32 to index
        %get3A_696 = arith.index_cast %add3A_693 : i32 to index
        %get3A_697 = arith.constant 0 : index
        %get3A_698 = tpu.vector_load %arg6[%get3A_695, %get3A_696, %get3A_697] {strides = array<i32>} : memref<4x200x32xf32, #tpu.memory_space<vmem>>, vector<1x1x16xf32>,
        %get3A_699 = vector.shape_cast %get3A_698 : vector<1x1x16xf32> to vector<16xf32>
        %add3A_700 = arith.addf %add3A_660, %get3A_699 : vector<16xf32>
        %add3A_701 = arith.constant 4 : i32
        %add3A_702 = arith.addi %mul3A_592, %add3A_701 : i32
        %add3A_703 = arith.constant 1 : i32
        %add3A_704 = arith.addi %add3A_702, %add3A_703 : i32
        %get3A_705 = arith.constant 1 : i32
        %get3A_706 = arith.index_cast %get3A_705 : i32 to index
        %get3A_707 = arith.index_cast %add3A_704 : i32 to index
        %get3A_708 = arith.constant 16 : index
        %get3A_709 = tpu.vector_load %arg6[%get3A_706, %get3A_707, %get3A_708] {strides = array<i32>} : memref<4x200x32xf32, #tpu.memory_space<vmem>>, vector<1x1x16xf32>,
        %get3A_710 = vector.shape_cast %get3A_709 : vector<1x1x16xf32> to vector<16xf32>
        %add3A_711 = arith.addf %add3A_671, %get3A_710 : vector<16xf32>
        %add3A_712 = arith.constant 6 : i32
        %add3A_713 = arith.addi %mul3A_592, %add3A_712 : i32
        %get3A_714 = arith.constant 1 : i32
        %get3A_715 = arith.index_cast %get3A_714 : i32 to index
        %get3A_716 = arith.index_cast %add3A_713 : i32 to index
        %get3A_717 = arith.constant 0 : index
        %get3A_718 = tpu.vector_load %arg6[%get3A_715, %get3A_716, %get3A_717] {strides = array<i32>} : memref<4x200x32xf32, #tpu.memory_space<vmem>>, vector<1x1x16xf32>,
        %get3A_719 = vector.shape_cast %get3A_718 : vector<1x1x16xf32> to vector<16xf32>
        %add3A_720 = arith.addf %add3A_680, %get3A_719 : vector<16xf32>
        %add3A_721 = arith.constant 6 : i32
        %add3A_722 = arith.addi %mul3A_592, %add3A_721 : i32
        %get3A_723 = arith.constant 1 : i32
        %get3A_724 = arith.index_cast %get3A_723 : i32 to index
        %get3A_725 = arith.index_cast %add3A_722 : i32 to index
        %get3A_726 = arith.constant 16 : index
        %get3A_727 = tpu.vector_load %arg6[%get3A_724, %get3A_725, %get3A_726] {strides = array<i32>} : memref<4x200x32xf32, #tpu.memory_space<vmem>>, vector<1x1x16xf32>,
        %get3A_728 = vector.shape_cast %get3A_727 : vector<1x1x16xf32> to vector<16xf32>
        %add3A_729 = arith.addf %add3A_689, %get3A_728 : vector<16xf32>
        %add3A_730 = arith.constant 6 : i32
        %add3A_731 = arith.addi %mul3A_592, %add3A_730 : i32
        %add3A_732 = arith.constant 1 : i32
        %add3A_733 = arith.addi %add3A_731, %add3A_732 : i32
        %get3A_734 = arith.constant 1 : i32
        %get3A_735 = arith.index_cast %get3A_734 : i32 to index
        %get3A_736 = arith.index_cast %add3A_733 : i32 to index
        %get3A_737 = arith.constant 0 : index
        %get3A_738 = tpu.vector_load %arg6[%get3A_735, %get3A_736, %get3A_737] {strides = array<i32>} : memref<4x200x32xf32, #tpu.memory_space<vmem>>, vector<1x1x16xf32>,
        %get3A_739 = vector.shape_cast %get3A_738 : vector<1x1x16xf32> to vector<16xf32>
        %add3A_740 = arith.addf %add3A_700, %get3A_739 : vector<16xf32>
        %add3A_741 = arith.constant 6 : i32
        %add3A_742 = arith.addi %mul3A_592, %add3A_741 : i32
        %add3A_743 = arith.constant 1 : i32
        %add3A_744 = arith.addi %add3A_742, %add3A_743 : i32
        %get3A_745 = arith.constant 1 : i32
        %get3A_746 = arith.index_cast %get3A_745 : i32 to index
        %get3A_747 = arith.index_cast %add3A_744 : i32 to index
        %get3A_748 = arith.constant 16 : index
        %get3A_749 = tpu.vector_load %arg6[%get3A_746, %get3A_747, %get3A_748] {strides = array<i32>} : memref<4x200x32xf32, #tpu.memory_space<vmem>>, vector<1x1x16xf32>,
        %get3A_750 = vector.shape_cast %get3A_749 : vector<1x1x16xf32> to vector<16xf32>
        %add3A_751 = arith.addf %add3A_711, %get3A_750 : vector<16xf32>
        scf.yield %add3A_720, %add3A_740, %add3A_729, %add3A_751 : vector<16xf32>, vector<16xf32>, vector<16xf32>, vector<16xf32>
      }
      %scan3A_385 = arith.constant 25 : i32
      %add3A_386 = arith.addf %scan3A_384#0, %scan3A_384#1 : vector<16xf32>
      %mul3A_387 = vector.broadcast %scan3A_81 : f32 to vector<16xf32>
      %mul3A_388 = arith.mulf %add3A_386, %mul3A_387 : vector<16xf32>
      %swap3A_389 = arith.index_cast %add3A_379 : i32 to index
      %swap3A_390 = arith.constant 0 : index
      %swap3A_391 = tpu.vector_load %arg7[%swap3A_389, %swap3A_390] {strides = array<i32>} : memref<128x32xf32, #tpu.memory_space<vmem>>, vector<1x16xf32>,
      %swap3A_392 = vector.shape_cast %swap3A_391 : vector<1x16xf32> to vector<16xf32>
      %swap3A_393 = vector.shape_cast %mul3A_388 : vector<16xf32> to vector<1x16xf32>
      tpu.vector_store %arg7[%swap3A_389, %swap3A_390], %swap3A_393 {strides = array<i32>} : memref<128x32xf32, #tpu.memory_space<vmem>>, vector<1x16xf32>,
      %add3A_394 = arith.addf %scan3A_384#2, %scan3A_384#3 : vector<16xf32>
      %mul3A_395 = vector.broadcast %scan3A_81 : f32 to vector<16xf32>
      %mul3A_396 = arith.mulf %add3A_394, %mul3A_395 : vector<16xf32>
      %swap3A_397 = arith.index_cast %add3A_379 : i32 to index
      %swap3A_398 = arith.constant 16 : index
      %swap3A_399 = tpu.vector_load %arg7[%swap3A_397, %swap3A_398] {strides = array<i32>} : memref<128x32xf32, #tpu.memory_space<vmem>>, vector<1x16xf32>,
      %swap3A_400 = vector.shape_cast %swap3A_399 : vector<1x16xf32> to vector<16xf32>
      %swap3A_401 = vector.shape_cast %mul3A_396 : vector<16xf32> to vector<1x16xf32>
      tpu.vector_store %arg7[%swap3A_397, %swap3A_398], %swap3A_401 {strides = array<i32>} : memref<128x32xf32, #tpu.memory_space<vmem>>, vector<1x16xf32>,
      %add3A_402 = arith.constant 4 : i32
      %add3A_403 = arith.addi %mul3A_273, %add3A_402 : i32
      %add3A_404 = arith.constant 1 : i32
      %add3A_405 = arith.addi %add3A_403, %add3A_404 : i32
      %mul3A_406 = arith.constant 200 : i32
      %mul3A_407 = arith.muli %add3A_405, %mul3A_406 : i32
      %mul3A_408 = arith.constant 200 : i32
      %mul3A_409 = arith.muli %add3A_405, %mul3A_408 : i32
      %add3A_410 = arith.constant 104 : i32
      %add3A_411 = arith.addi %mul3A_409, %add3A_410 : i32
      %dma_start3A_412 = arith.constant 1 : i32
      %dma_start3A_413 = arith.constant 0 : i32
      %dma_start3A_414 = arith.constant 0 : i32
      %dma_start3A_415 = tpu.memref_slice %arg6[%dma_start3A_412, %dma_start3A_413, %dma_start3A_414] : memref<4x200x32xf32, #tpu.memory_space<vmem>> -> memref<1x104x32xf32, #tpu.memory_space<vmem>>
      %dma_start3A_416 = tpu.memref_squeeze %dma_start3A_415 : memref<1x104x32xf32, #tpu.memory_space<vmem>> -> memref<104x32xf32, #tpu.memory_space<vmem>>
      %dma_start3A_417 = tpu.memref_slice %arg5[%mul3A_407] : memref<25600xi32, #tpu.memory_space<vmem>> -> memref<104xi32, #tpu.memory_space<vmem>>
      %dma_start3A_418 = arith.constant 0 : i32
      %dma_start3A_419 = arith.constant 0 : i32
      %dma_start3A_420 = tpu.memref_slice %arg3[%dma_start3A_418, %dma_start3A_419] : memref<1007616x32xf32, #tpu.memory_space<hbm>> -> memref<1007616x32xf32, #tpu.memory_space<hbm>>
      tpu.enqueue_indirect_dma source(%dma_start3A_420 : memref<1007616x32xf32, #tpu.memory_space<hbm>>) target(%dma_start3A_416 : memref<104x32xf32, #tpu.memory_space<vmem>>) offsets(%dma_start3A_417 : memref<104xi32, #tpu.memory_space<vmem>>) semaphore(%arg9 : memref<!tpu.dma_semaphore, #tpu.memory_space<semaphore_mem>>)
      %dma_start3A_421 = arith.constant 1 : i32
      %dma_start3A_422 = arith.constant 104 : i32
      %dma_start3A_423 = arith.constant 0 : i32
      %dma_start3A_424 = tpu.memref_slice %arg6[%dma_start3A_421, %dma_start3A_422, %dma_start3A_423] : memref<4x200x32xf32, #tpu.memory_space<vmem>> -> memref<1x96x32xf32, #tpu.memory_space<vmem>>
      %dma_start3A_425 = tpu.memref_squeeze %dma_start3A_424 : memref<1x96x32xf32, #tpu.memory_space<vmem>> -> memref<96x32xf32, #tpu.memory_space<vmem>>
      %dma_start3A_426 = tpu.memref_slice %arg5[%add3A_411] : memref<25600xi32, #tpu.memory_space<vmem>> -> memref<96xi32, #tpu.memory_space<vmem>>
      %dma_start3A_427 = arith.constant 0 : i32
      %dma_start3A_428 = arith.constant 0 : i32
      %dma_start3A_429 = tpu.memref_slice %arg3[%dma_start3A_427, %dma_start3A_428] : memref<1007616x32xf32, #tpu.memory_space<hbm>> -> memref<1007616x32xf32, #tpu.memory_space<hbm>>
      tpu.enqueue_indirect_dma source(%dma_start3A_429 : memref<1007616x32xf32, #tpu.memory_space<hbm>>) target(%dma_start3A_425 : memref<96x32xf32, #tpu.memory_space<vmem>>) offsets(%dma_start3A_426 : memref<96xi32, #tpu.memory_space<vmem>>) semaphore(%arg9 : memref<!tpu.dma_semaphore, #tpu.memory_space<semaphore_mem>>)
      %add3A_430 = arith.constant 2 : i32
      %add3A_431 = arith.addi %mul3A_273, %add3A_430 : i32
      %mul3A_432 = arith.constant 200 : i32
      %mul3A_433 = arith.muli %add3A_431, %mul3A_432 : i32
      %mul3A_434 = arith.constant 200 : i32
      %mul3A_435 = arith.muli %add3A_431, %mul3A_434 : i32
      %add3A_436 = arith.constant 104 : i32
      %add3A_437 = arith.addi %mul3A_435, %add3A_436 : i32
      %dma_wait3A_438 = arith.constant 2 : i32
      %dma_wait3A_439 = arith.constant 0 : i32
      %dma_wait3A_440 = arith.constant 0 : i32
      %dma_wait3A_441 = tpu.memref_slice %arg6[%dma_wait3A_438, %dma_wait3A_439, %dma_wait3A_440] : memref<4x200x32xf32, #tpu.memory_space<vmem>> -> memref<1x104x32xf32, #tpu.memory_space<vmem>>
      %dma_wait3A_442 = tpu.memref_squeeze %dma_wait3A_441 : memref<1x104x32xf32, #tpu.memory_space<vmem>> -> memref<104x32xf32, #tpu.memory_space<vmem>>
      %dma_wait3A_443 = tpu.memref_slice %arg5[%mul3A_433] : memref<25600xi32, #tpu.memory_space<vmem>> -> memref<104xi32, #tpu.memory_space<vmem>>
      %dma_wait3A_444 = arith.constant 0 : i32
      %dma_wait3A_445 = arith.constant 0 : i32
      %dma_wait3A_446 = tpu.memref_slice %arg3[%dma_wait3A_444, %dma_wait3A_445] : memref<1007616x32xf32, #tpu.memory_space<hbm>> -> memref<1007616x32xf32, #tpu.memory_space<hbm>>
      tpu.wait_indirect_dma semaphore(%arg10 : memref<!tpu.dma_semaphore, #tpu.memory_space<semaphore_mem>>) src(%dma_wait3A_446 : memref<1007616x32xf32, #tpu.memory_space<hbm>>) dst(%dma_wait3A_442 : memref<104x32xf32, #tpu.memory_space<vmem>>)
      %dma_wait3A_447 = arith.constant 2 : i32
      %dma_wait3A_448 = arith.constant 104 : i32
      %dma_wait3A_449 = arith.constant 0 : i32
      %dma_wait3A_450 = tpu.memref_slice %arg6[%dma_wait3A_447, %dma_wait3A_448, %dma_wait3A_449] : memref<4x200x32xf32, #tpu.memory_space<vmem>> -> memref<1x96x32xf32, #tpu.memory_space<vmem>>
      %dma_wait3A_451 = tpu.memref_squeeze %dma_wait3A_450 : memref<1x96x32xf32, #tpu.memory_space<vmem>> -> memref<96x32xf32, #tpu.memory_space<vmem>>
      %dma_wait3A_452 = tpu.memref_slice %arg5[%add3A_437] : memref<25600xi32, #tpu.memory_space<vmem>> -> memref<96xi32, #tpu.memory_space<vmem>>
      %dma_wait3A_453 = arith.constant 0 : i32
      %dma_wait3A_454 = arith.constant 0 : i32
      %dma_wait3A_455 = tpu.memref_slice %arg3[%dma_wait3A_453, %dma_wait3A_454] : memref<1007616x32xf32, #tpu.memory_space<hbm>> -> memref<1007616x32xf32, #tpu.memory_space<hbm>>
      tpu.wait_indirect_dma semaphore(%arg10 : memref<!tpu.dma_semaphore, #tpu.memory_space<semaphore_mem>>) src(%dma_wait3A_455 : memref<1007616x32xf32, #tpu.memory_space<hbm>>) dst(%dma_wait3A_451 : memref<96x32xf32, #tpu.memory_space<vmem>>)
      %add3A_456 = arith.constant 2 : i32
      %add3A_457 = arith.addi %mul3A_273, %add3A_456 : i32
      %scan3A_458 = arith.constant 0 : i32
      %scan3A_459 = arith.constant 25 : i32
      %scan3A_460 = arith.addi %scan3A_458, %scan3A_459 : i32
      %scan3A_461 = arith.constant 1 : i32
      %scan3A_462:4 = scf.for %scan3A_586 = %scan3A_458 to %scan3A_460 step %scan3A_461 iter_args(%scan3A_587 = %broadcast_in_dim3A_1, %scan3A_588 = %broadcast_in_dim3A_1, %scan3A_589 = %broadcast_in_dim3A_1, %scan3A_590 = %broadcast_in_dim3A_1) -> (vector<16xf32>, vector<16xf32>, vector<16xf32>, vector<16xf32>)  : i32 {
        %mul3A_591 = arith.constant 8 : i32
        %mul3A_592 = arith.muli %scan3A_586, %mul3A_591 : i32
        %add3A_593 = arith.constant 0 : i32
        %add3A_594 = arith.addi %mul3A_592, %add3A_593 : i32
        %get3A = arith.constant 2 : i32
        %get3A_595 = arith.index_cast %get3A : i32 to index
        %get3A_596 = arith.index_cast %add3A_594 : i32 to index
        %get3A_597 = arith.constant 0 : index
        %get3A_598 = tpu.vector_load %arg6[%get3A_595, %get3A_596, %get3A_597] {strides = array<i32>} : memref<4x200x32xf32, #tpu.memory_space<vmem>>, vector<1x1x16xf32>,
        %get3A_599 = vector.shape_cast %get3A_598 : vector<1x1x16xf32> to vector<16xf32>
        %add3A_600 = arith.addf %scan3A_587, %get3A_599 : vector<16xf32>
        %add3A_601 = arith.constant 0 : i32
        %add3A_602 = arith.addi %mul3A_592, %add3A_601 : i32
        %get3A_603 = arith.constant 2 : i32
        %get3A_604 = arith.index_cast %get3A_603 : i32 to index
        %get3A_605 = arith.index_cast %add3A_602 : i32 to index
        %get3A_606 = arith.constant 16 : index
        %get3A_607 = tpu.vector_load %arg6[%get3A_604, %get3A_605, %get3A_606] {strides = array<i32>} : memref<4x200x32xf32, #tpu.memory_space<vmem>>, vector<1x1x16xf32>,
        %get3A_608 = vector.shape_cast %get3A_607 : vector<1x1x16xf32> to vector<16xf32>
        %add3A_609 = arith.addf %scan3A_589, %get3A_608 : vector<16xf32>
        %add3A_610 = arith.constant 0 : i32
        %add3A_611 = arith.addi %mul3A_592, %add3A_610 : i32
        %add3A_612 = arith.constant 1 : i32
        %add3A_613 = arith.addi %add3A_611, %add3A_612 : i32
        %get3A_614 = arith.constant 2 : i32
        %get3A_615 = arith.index_cast %get3A_614 : i32 to index
        %get3A_616 = arith.index_cast %add3A_613 : i32 to index
        %get3A_617 = arith.constant 0 : index
        %get3A_618 = tpu.vector_load %arg6[%get3A_615, %get3A_616, %get3A_617] {strides = array<i32>} : memref<4x200x32xf32, #tpu.memory_space<vmem>>, vector<1x1x16xf32>,
        %get3A_619 = vector.shape_cast %get3A_618 : vector<1x1x16xf32> to vector<16xf32>
        %add3A_620 = arith.addf %scan3A_588, %get3A_619 : vector<16xf32>
        %add3A_621 = arith.constant 0 : i32
        %add3A_622 = arith.addi %mul3A_592, %add3A_621 : i32
        %add3A_623 = arith.constant 1 : i32
        %add3A_624 = arith.addi %add3A_622, %add3A_623 : i32
        %get3A_625 = arith.constant 2 : i32
        %get3A_626 = arith.index_cast %get3A_625 : i32 to index
        %get3A_627 = arith.index_cast %add3A_624 : i32 to index
        %get3A_628 = arith.constant 16 : index
        %get3A_629 = tpu.vector_load %arg6[%get3A_626, %get3A_627, %get3A_628] {strides = array<i32>} : memref<4x200x32xf32, #tpu.memory_space<vmem>>, vector<1x1x16xf32>,
        %get3A_630 = vector.shape_cast %get3A_629 : vector<1x1x16xf32> to vector<16xf32>
        %add3A_631 = arith.addf %scan3A_590, %get3A_630 : vector<16xf32>
        %add3A_632 = arith.constant 2 : i32
        %add3A_633 = arith.addi %mul3A_592, %add3A_632 : i32
        %get3A_634 = arith.constant 2 : i32
        %get3A_635 = arith.index_cast %get3A_634 : i32 to index
        %get3A_636 = arith.index_cast %add3A_633 : i32 to index
        %get3A_637 = arith.constant 0 : index
        %get3A_638 = tpu.vector_load %arg6[%get3A_635, %get3A_636, %get3A_637] {strides = array<i32>} : memref<4x200x32xf32, #tpu.memory_space<vmem>>, vector<1x1x16xf32>,
        %get3A_639 = vector.shape_cast %get3A_638 : vector<1x1x16xf32> to vector<16xf32>
        %add3A_640 = arith.addf %add3A_600, %get3A_639 : vector<16xf32>
        %add3A_641 = arith.constant 2 : i32
        %add3A_642 = arith.addi %mul3A_592, %add3A_641 : i32
        %get3A_643 = arith.constant 2 : i32
        %get3A_644 = arith.index_cast %get3A_643 : i32 to index
        %get3A_645 = arith.index_cast %add3A_642 : i32 to index
        %get3A_646 = arith.constant 16 : index
        %get3A_647 = tpu.vector_load %arg6[%get3A_644, %get3A_645, %get3A_646] {strides = array<i32>} : memref<4x200x32xf32, #tpu.memory_space<vmem>>, vector<1x1x16xf32>,
        %get3A_648 = vector.shape_cast %get3A_647 : vector<1x1x16xf32> to vector<16xf32>
        %add3A_649 = arith.addf %add3A_609, %get3A_648 : vector<16xf32>
        %add3A_650 = arith.constant 2 : i32
        %add3A_651 = arith.addi %mul3A_592, %add3A_650 : i32
        %add3A_652 = arith.constant 1 : i32
        %add3A_653 = arith.addi %add3A_651, %add3A_652 : i32
        %get3A_654 = arith.constant 2 : i32
        %get3A_655 = arith.index_cast %get3A_654 : i32 to index
        %get3A_656 = arith.index_cast %add3A_653 : i32 to index
        %get3A_657 = arith.constant 0 : index
        %get3A_658 = tpu.vector_load %arg6[%get3A_655, %get3A_656, %get3A_657] {strides = array<i32>} : memref<4x200x32xf32, #tpu.memory_space<vmem>>, vector<1x1x16xf32>,
        %get3A_659 = vector.shape_cast %get3A_658 : vector<1x1x16xf32> to vector<16xf32>
        %add3A_660 = arith.addf %add3A_620, %get3A_659 : vector<16xf32>
        %add3A_661 = arith.constant 2 : i32
        %add3A_662 = arith.addi %mul3A_592, %add3A_661 : i32
        %add3A_663 = arith.constant 1 : i32
        %add3A_664 = arith.addi %add3A_662, %add3A_663 : i32
        %get3A_665 = arith.constant 2 : i32
        %get3A_666 = arith.index_cast %get3A_665 : i32 to index
        %get3A_667 = arith.index_cast %add3A_664 : i32 to index
        %get3A_668 = arith.constant 16 : index
        %get3A_669 = tpu.vector_load %arg6[%get3A_666, %get3A_667, %get3A_668] {strides = array<i32>} : memref<4x200x32xf32, #tpu.memory_space<vmem>>, vector<1x1x16xf32>,
        %get3A_670 = vector.shape_cast %get3A_669 : vector<1x1x16xf32> to vector<16xf32>
        %add3A_671 = arith.addf %add3A_631, %get3A_670 : vector<16xf32>
        %add3A_672 = arith.constant 4 : i32
        %add3A_673 = arith.addi %mul3A_592, %add3A_672 : i32
        %get3A_674 = arith.constant 2 : i32
        %get3A_675 = arith.index_cast %get3A_674 : i32 to index
        %get3A_676 = arith.index_cast %add3A_673 : i32 to index
        %get3A_677 = arith.constant 0 : index
        %get3A_678 = tpu.vector_load %arg6[%get3A_675, %get3A_676, %get3A_677] {strides = array<i32>} : memref<4x200x32xf32, #tpu.memory_space<vmem>>, vector<1x1x16xf32>,
        %get3A_679 = vector.shape_cast %get3A_678 : vector<1x1x16xf32> to vector<16xf32>
        %add3A_680 = arith.addf %add3A_640, %get3A_679 : vector<16xf32>
        %add3A_681 = arith.constant 4 : i32
        %add3A_682 = arith.addi %mul3A_592, %add3A_681 : i32
        %get3A_683 = arith.constant 2 : i32
        %get3A_684 = arith.index_cast %get3A_683 : i32 to index
        %get3A_685 = arith.index_cast %add3A_682 : i32 to index
        %get3A_686 = arith.constant 16 : index
        %get3A_687 = tpu.vector_load %arg6[%get3A_684, %get3A_685, %get3A_686] {strides = array<i32>} : memref<4x200x32xf32, #tpu.memory_space<vmem>>, vector<1x1x16xf32>,
        %get3A_688 = vector.shape_cast %get3A_687 : vector<1x1x16xf32> to vector<16xf32>
        %add3A_689 = arith.addf %add3A_649, %get3A_688 : vector<16xf32>
        %add3A_690 = arith.constant 4 : i32
        %add3A_691 = arith.addi %mul3A_592, %add3A_690 : i32
        %add3A_692 = arith.constant 1 : i32
        %add3A_693 = arith.addi %add3A_691, %add3A_692 : i32
        %get3A_694 = arith.constant 2 : i32
        %get3A_695 = arith.index_cast %get3A_694 : i32 to index
        %get3A_696 = arith.index_cast %add3A_693 : i32 to index
        %get3A_697 = arith.constant 0 : index
        %get3A_698 = tpu.vector_load %arg6[%get3A_695, %get3A_696, %get3A_697] {strides = array<i32>} : memref<4x200x32xf32, #tpu.memory_space<vmem>>, vector<1x1x16xf32>,
        %get3A_699 = vector.shape_cast %get3A_698 : vector<1x1x16xf32> to vector<16xf32>
        %add3A_700 = arith.addf %add3A_660, %get3A_699 : vector<16xf32>
        %add3A_701 = arith.constant 4 : i32
        %add3A_702 = arith.addi %mul3A_592, %add3A_701 : i32
        %add3A_703 = arith.constant 1 : i32
        %add3A_704 = arith.addi %add3A_702, %add3A_703 : i32
        %get3A_705 = arith.constant 2 : i32
        %get3A_706 = arith.index_cast %get3A_705 : i32 to index
        %get3A_707 = arith.index_cast %add3A_704 : i32 to index
        %get3A_708 = arith.constant 16 : index
        %get3A_709 = tpu.vector_load %arg6[%get3A_706, %get3A_707, %get3A_708] {strides = array<i32>} : memref<4x200x32xf32, #tpu.memory_space<vmem>>, vector<1x1x16xf32>,
        %get3A_710 = vector.shape_cast %get3A_709 : vector<1x1x16xf32> to vector<16xf32>
        %add3A_711 = arith.addf %add3A_671, %get3A_710 : vector<16xf32>
        %add3A_712 = arith.constant 6 : i32
        %add3A_713 = arith.addi %mul3A_592, %add3A_712 : i32
        %get3A_714 = arith.constant 2 : i32
        %get3A_715 = arith.index_cast %get3A_714 : i32 to index
        %get3A_716 = arith.index_cast %add3A_713 : i32 to index
        %get3A_717 = arith.constant 0 : index
        %get3A_718 = tpu.vector_load %arg6[%get3A_715, %get3A_716, %get3A_717] {strides = array<i32>} : memref<4x200x32xf32, #tpu.memory_space<vmem>>, vector<1x1x16xf32>,
        %get3A_719 = vector.shape_cast %get3A_718 : vector<1x1x16xf32> to vector<16xf32>
        %add3A_720 = arith.addf %add3A_680, %get3A_719 : vector<16xf32>
        %add3A_721 = arith.constant 6 : i32
        %add3A_722 = arith.addi %mul3A_592, %add3A_721 : i32
        %get3A_723 = arith.constant 2 : i32
        %get3A_724 = arith.index_cast %get3A_723 : i32 to index
        %get3A_725 = arith.index_cast %add3A_722 : i32 to index
        %get3A_726 = arith.constant 16 : index
        %get3A_727 = tpu.vector_load %arg6[%get3A_724, %get3A_725, %get3A_726] {strides = array<i32>} : memref<4x200x32xf32, #tpu.memory_space<vmem>>, vector<1x1x16xf32>,
        %get3A_728 = vector.shape_cast %get3A_727 : vector<1x1x16xf32> to vector<16xf32>
        %add3A_729 = arith.addf %add3A_689, %get3A_728 : vector<16xf32>
        %add3A_730 = arith.constant 6 : i32
        %add3A_731 = arith.addi %mul3A_592, %add3A_730 : i32
        %add3A_732 = arith.constant 1 : i32
        %add3A_733 = arith.addi %add3A_731, %add3A_732 : i32
        %get3A_734 = arith.constant 2 : i32
        %get3A_735 = arith.index_cast %get3A_734 : i32 to index
        %get3A_736 = arith.index_cast %add3A_733 : i32 to index
        %get3A_737 = arith.constant 0 : index
        %get3A_738 = tpu.vector_load %arg6[%get3A_735, %get3A_736, %get3A_737] {strides = array<i32>} : memref<4x200x32xf32, #tpu.memory_space<vmem>>, vector<1x1x16xf32>,
        %get3A_739 = vector.shape_cast %get3A_738 : vector<1x1x16xf32> to vector<16xf32>
        %add3A_740 = arith.addf %add3A_700, %get3A_739 : vector<16xf32>
        %add3A_741 = arith.constant 6 : i32
        %add3A_742 = arith.addi %mul3A_592, %add3A_741 : i32
        %add3A_743 = arith.constant 1 : i32
        %add3A_744 = arith.addi %add3A_742, %add3A_743 : i32
        %get3A_745 = arith.constant 2 : i32
        %get3A_746 = arith.index_cast %get3A_745 : i32 to index
        %get3A_747 = arith.index_cast %add3A_744 : i32 to index
        %get3A_748 = arith.constant 16 : index
        %get3A_749 = tpu.vector_load %arg6[%get3A_746, %get3A_747, %get3A_748] {strides = array<i32>} : memref<4x200x32xf32, #tpu.memory_space<vmem>>, vector<1x1x16xf32>,
        %get3A_750 = vector.shape_cast %get3A_749 : vector<1x1x16xf32> to vector<16xf32>
        %add3A_751 = arith.addf %add3A_711, %get3A_750 : vector<16xf32>
        scf.yield %add3A_720, %add3A_740, %add3A_729, %add3A_751 : vector<16xf32>, vector<16xf32>, vector<16xf32>, vector<16xf32>
      }
      %scan3A_463 = arith.constant 25 : i32
      %add3A_464 = arith.addf %scan3A_462#0, %scan3A_462#1 : vector<16xf32>
      %mul3A_465 = vector.broadcast %scan3A_81 : f32 to vector<16xf32>
      %mul3A_466 = arith.mulf %add3A_464, %mul3A_465 : vector<16xf32>
      %swap3A_467 = arith.index_cast %add3A_457 : i32 to index
      %swap3A_468 = arith.constant 0 : index
      %swap3A_469 = tpu.vector_load %arg7[%swap3A_467, %swap3A_468] {strides = array<i32>} : memref<128x32xf32, #tpu.memory_space<vmem>>, vector<1x16xf32>,
      %swap3A_470 = vector.shape_cast %swap3A_469 : vector<1x16xf32> to vector<16xf32>
      %swap3A_471 = vector.shape_cast %mul3A_466 : vector<16xf32> to vector<1x16xf32>
      tpu.vector_store %arg7[%swap3A_467, %swap3A_468], %swap3A_471 {strides = array<i32>} : memref<128x32xf32, #tpu.memory_space<vmem>>, vector<1x16xf32>,
      %add3A_472 = arith.addf %scan3A_462#2, %scan3A_462#3 : vector<16xf32>
      %mul3A_473 = vector.broadcast %scan3A_81 : f32 to vector<16xf32>
      %mul3A_474 = arith.mulf %add3A_472, %mul3A_473 : vector<16xf32>
      %swap3A_475 = arith.index_cast %add3A_457 : i32 to index
      %swap3A_476 = arith.constant 16 : index
      %swap3A_477 = tpu.vector_load %arg7[%swap3A_475, %swap3A_476] {strides = array<i32>} : memref<128x32xf32, #tpu.memory_space<vmem>>, vector<1x16xf32>,
      %swap3A_478 = vector.shape_cast %swap3A_477 : vector<1x16xf32> to vector<16xf32>
      %swap3A_479 = vector.shape_cast %mul3A_474 : vector<16xf32> to vector<1x16xf32>
      tpu.vector_store %arg7[%swap3A_475, %swap3A_476], %swap3A_479 {strides = array<i32>} : memref<128x32xf32, #tpu.memory_space<vmem>>, vector<1x16xf32>,
      %add3A_480 = arith.constant 4 : i32
      %add3A_481 = arith.addi %mul3A_273, %add3A_480 : i32
      %add3A_482 = arith.constant 2 : i32
      %add3A_483 = arith.addi %add3A_481, %add3A_482 : i32
      %mul3A_484 = arith.constant 200 : i32
      %mul3A_485 = arith.muli %add3A_483, %mul3A_484 : i32
      %mul3A_486 = arith.constant 200 : i32
      %mul3A_487 = arith.muli %add3A_483, %mul3A_486 : i32
      %add3A_488 = arith.constant 104 : i32
      %add3A_489 = arith.addi %mul3A_487, %add3A_488 : i32
      %dma_start3A_490 = arith.constant 2 : i32
      %dma_start3A_491 = arith.constant 0 : i32
      %dma_start3A_492 = arith.constant 0 : i32
      %dma_start3A_493 = tpu.memref_slice %arg6[%dma_start3A_490, %dma_start3A_491, %dma_start3A_492] : memref<4x200x32xf32, #tpu.memory_space<vmem>> -> memref<1x104x32xf32, #tpu.memory_space<vmem>>
      %dma_start3A_494 = tpu.memref_squeeze %dma_start3A_493 : memref<1x104x32xf32, #tpu.memory_space<vmem>> -> memref<104x32xf32, #tpu.memory_space<vmem>>
      %dma_start3A_495 = tpu.memref_slice %arg5[%mul3A_485] : memref<25600xi32, #tpu.memory_space<vmem>> -> memref<104xi32, #tpu.memory_space<vmem>>
      %dma_start3A_496 = arith.constant 0 : i32
      %dma_start3A_497 = arith.constant 0 : i32
      %dma_start3A_498 = tpu.memref_slice %arg3[%dma_start3A_496, %dma_start3A_497] : memref<1007616x32xf32, #tpu.memory_space<hbm>> -> memref<1007616x32xf32, #tpu.memory_space<hbm>>
      tpu.enqueue_indirect_dma source(%dma_start3A_498 : memref<1007616x32xf32, #tpu.memory_space<hbm>>) target(%dma_start3A_494 : memref<104x32xf32, #tpu.memory_space<vmem>>) offsets(%dma_start3A_495 : memref<104xi32, #tpu.memory_space<vmem>>) semaphore(%arg10 : memref<!tpu.dma_semaphore, #tpu.memory_space<semaphore_mem>>)
      %dma_start3A_499 = arith.constant 2 : i32
      %dma_start3A_500 = arith.constant 104 : i32
      %dma_start3A_501 = arith.constant 0 : i32
      %dma_start3A_502 = tpu.memref_slice %arg6[%dma_start3A_499, %dma_start3A_500, %dma_start3A_501] : memref<4x200x32xf32, #tpu.memory_space<vmem>> -> memref<1x96x32xf32, #tpu.memory_space<vmem>>
      %dma_start3A_503 = tpu.memref_squeeze %dma_start3A_502 : memref<1x96x32xf32, #tpu.memory_space<vmem>> -> memref<96x32xf32, #tpu.memory_space<vmem>>
      %dma_start3A_504 = tpu.memref_slice %arg5[%add3A_489] : memref<25600xi32, #tpu.memory_space<vmem>> -> memref<96xi32, #tpu.memory_space<vmem>>
      %dma_start3A_505 = arith.constant 0 : i32
      %dma_start3A_506 = arith.constant 0 : i32
      %dma_start3A_507 = tpu.memref_slice %arg3[%dma_start3A_505, %dma_start3A_506] : memref<1007616x32xf32, #tpu.memory_space<hbm>> -> memref<1007616x32xf32, #tpu.memory_space<hbm>>
      tpu.enqueue_indirect_dma source(%dma_start3A_507 : memref<1007616x32xf32, #tpu.memory_space<hbm>>) target(%dma_start3A_503 : memref<96x32xf32, #tpu.memory_space<vmem>>) offsets(%dma_start3A_504 : memref<96xi32, #tpu.memory_space<vmem>>) semaphore(%arg10 : memref<!tpu.dma_semaphore, #tpu.memory_space<semaphore_mem>>)
      %add3A_508 = arith.constant 3 : i32
      %add3A_509 = arith.addi %mul3A_273, %add3A_508 : i32
      %mul3A_510 = arith.constant 200 : i32
      %mul3A_511 = arith.muli %add3A_509, %mul3A_510 : i32
      %mul3A_512 = arith.constant 200 : i32
      %mul3A_513 = arith.muli %add3A_509, %mul3A_512 : i32
      %add3A_514 = arith.constant 104 : i32
      %add3A_515 = arith.addi %mul3A_513, %add3A_514 : i32
      %dma_wait3A_516 = arith.constant 3 : i32
      %dma_wait3A_517 = arith.constant 0 : i32
      %dma_wait3A_518 = arith.constant 0 : i32
      %dma_wait3A_519 = tpu.memref_slice %arg6[%dma_wait3A_516, %dma_wait3A_517, %dma_wait3A_518] : memref<4x200x32xf32, #tpu.memory_space<vmem>> -> memref<1x104x32xf32, #tpu.memory_space<vmem>>
      %dma_wait3A_520 = tpu.memref_squeeze %dma_wait3A_519 : memref<1x104x32xf32, #tpu.memory_space<vmem>> -> memref<104x32xf32, #tpu.memory_space<vmem>>
      %dma_wait3A_521 = tpu.memref_slice %arg5[%mul3A_511] : memref<25600xi32, #tpu.memory_space<vmem>> -> memref<104xi32, #tpu.memory_space<vmem>>
      %dma_wait3A_522 = arith.constant 0 : i32
      %dma_wait3A_523 = arith.constant 0 : i32
      %dma_wait3A_524 = tpu.memref_slice %arg3[%dma_wait3A_522, %dma_wait3A_523] : memref<1007616x32xf32, #tpu.memory_space<hbm>> -> memref<1007616x32xf32, #tpu.memory_space<hbm>>
      tpu.wait_indirect_dma semaphore(%arg11 : memref<!tpu.dma_semaphore, #tpu.memory_space<semaphore_mem>>) src(%dma_wait3A_524 : memref<1007616x32xf32, #tpu.memory_space<hbm>>) dst(%dma_wait3A_520 : memref<104x32xf32, #tpu.memory_space<vmem>>)
      %dma_wait3A_525 = arith.constant 3 : i32
      %dma_wait3A_526 = arith.constant 104 : i32
      %dma_wait3A_527 = arith.constant 0 : i32
      %dma_wait3A_528 = tpu.memref_slice %arg6[%dma_wait3A_525, %dma_wait3A_526, %dma_wait3A_527] : memref<4x200x32xf32, #tpu.memory_space<vmem>> -> memref<1x96x32xf32, #tpu.memory_space<vmem>>
      %dma_wait3A_529 = tpu.memref_squeeze %dma_wait3A_528 : memref<1x96x32xf32, #tpu.memory_space<vmem>> -> memref<96x32xf32, #tpu.memory_space<vmem>>
      %dma_wait3A_530 = tpu.memref_slice %arg5[%add3A_515] : memref<25600xi32, #tpu.memory_space<vmem>> -> memref<96xi32, #tpu.memory_space<vmem>>
      %dma_wait3A_531 = arith.constant 0 : i32
      %dma_wait3A_532 = arith.constant 0 : i32
      %dma_wait3A_533 = tpu.memref_slice %arg3[%dma_wait3A_531, %dma_wait3A_532] : memref<1007616x32xf32, #tpu.memory_space<hbm>> -> memref<1007616x32xf32, #tpu.memory_space<hbm>>
      tpu.wait_indirect_dma semaphore(%arg11 : memref<!tpu.dma_semaphore, #tpu.memory_space<semaphore_mem>>) src(%dma_wait3A_533 : memref<1007616x32xf32, #tpu.memory_space<hbm>>) dst(%dma_wait3A_529 : memref<96x32xf32, #tpu.memory_space<vmem>>)
      %add3A_534 = arith.constant 3 : i32
      %add3A_535 = arith.addi %mul3A_273, %add3A_534 : i32
      %scan3A_536 = arith.constant 0 : i32
      %scan3A_537 = arith.constant 25 : i32
      %scan3A_538 = arith.addi %scan3A_536, %scan3A_537 : i32
      %scan3A_539 = arith.constant 1 : i32
      %scan3A_540:4 = scf.for %scan3A_586 = %scan3A_536 to %scan3A_538 step %scan3A_539 iter_args(%scan3A_587 = %broadcast_in_dim3A_1, %scan3A_588 = %broadcast_in_dim3A_1, %scan3A_589 = %broadcast_in_dim3A_1, %scan3A_590 = %broadcast_in_dim3A_1) -> (vector<16xf32>, vector<16xf32>, vector<16xf32>, vector<16xf32>)  : i32 {
        %mul3A_591 = arith.constant 8 : i32
        %mul3A_592 = arith.muli %scan3A_586, %mul3A_591 : i32
        %add3A_593 = arith.constant 0 : i32
        %add3A_594 = arith.addi %mul3A_592, %add3A_593 : i32
        %get3A = arith.constant 3 : i32
        %get3A_595 = arith.index_cast %get3A : i32 to index
        %get3A_596 = arith.index_cast %add3A_594 : i32 to index
        %get3A_597 = arith.constant 0 : index
        %get3A_598 = tpu.vector_load %arg6[%get3A_595, %get3A_596, %get3A_597] {strides = array<i32>} : memref<4x200x32xf32, #tpu.memory_space<vmem>>, vector<1x1x16xf32>,
        %get3A_599 = vector.shape_cast %get3A_598 : vector<1x1x16xf32> to vector<16xf32>
        %add3A_600 = arith.addf %scan3A_587, %get3A_599 : vector<16xf32>
        %add3A_601 = arith.constant 0 : i32
        %add3A_602 = arith.addi %mul3A_592, %add3A_601 : i32
        %get3A_603 = arith.constant 3 : i32
        %get3A_604 = arith.index_cast %get3A_603 : i32 to index
        %get3A_605 = arith.index_cast %add3A_602 : i32 to index
        %get3A_606 = arith.constant 16 : index
        %get3A_607 = tpu.vector_load %arg6[%get3A_604, %get3A_605, %get3A_606] {strides = array<i32>} : memref<4x200x32xf32, #tpu.memory_space<vmem>>, vector<1x1x16xf32>,
        %get3A_608 = vector.shape_cast %get3A_607 : vector<1x1x16xf32> to vector<16xf32>
        %add3A_609 = arith.addf %scan3A_589, %get3A_608 : vector<16xf32>
        %add3A_610 = arith.constant 0 : i32
        %add3A_611 = arith.addi %mul3A_592, %add3A_610 : i32
        %add3A_612 = arith.constant 1 : i32
        %add3A_613 = arith.addi %add3A_611, %add3A_612 : i32
        %get3A_614 = arith.constant 3 : i32
        %get3A_615 = arith.index_cast %get3A_614 : i32 to index
        %get3A_616 = arith.index_cast %add3A_613 : i32 to index
        %get3A_617 = arith.constant 0 : index
        %get3A_618 = tpu.vector_load %arg6[%get3A_615, %get3A_616, %get3A_617] {strides = array<i32>} : memref<4x200x32xf32, #tpu.memory_space<vmem>>, vector<1x1x16xf32>,
        %get3A_619 = vector.shape_cast %get3A_618 : vector<1x1x16xf32> to vector<16xf32>
        %add3A_620 = arith.addf %scan3A_588, %get3A_619 : vector<16xf32>
        %add3A_621 = arith.constant 0 : i32
        %add3A_622 = arith.addi %mul3A_592, %add3A_621 : i32
        %add3A_623 = arith.constant 1 : i32
        %add3A_624 = arith.addi %add3A_622, %add3A_623 : i32
        %get3A_625 = arith.constant 3 : i32
        %get3A_626 = arith.index_cast %get3A_625 : i32 to index
        %get3A_627 = arith.index_cast %add3A_624 : i32 to index
        %get3A_628 = arith.constant 16 : index
        %get3A_629 = tpu.vector_load %arg6[%get3A_626, %get3A_627, %get3A_628] {strides = array<i32>} : memref<4x200x32xf32, #tpu.memory_space<vmem>>, vector<1x1x16xf32>,
        %get3A_630 = vector.shape_cast %get3A_629 : vector<1x1x16xf32> to vector<16xf32>
        %add3A_631 = arith.addf %scan3A_590, %get3A_630 : vector<16xf32>
        %add3A_632 = arith.constant 2 : i32
        %add3A_633 = arith.addi %mul3A_592, %add3A_632 : i32
        %get3A_634 = arith.constant 3 : i32
        %get3A_635 = arith.index_cast %get3A_634 : i32 to index
        %get3A_636 = arith.index_cast %add3A_633 : i32 to index
        %get3A_637 = arith.constant 0 : index
        %get3A_638 = tpu.vector_load %arg6[%get3A_635, %get3A_636, %get3A_637] {strides = array<i32>} : memref<4x200x32xf32, #tpu.memory_space<vmem>>, vector<1x1x16xf32>,
        %get3A_639 = vector.shape_cast %get3A_638 : vector<1x1x16xf32> to vector<16xf32>
        %add3A_640 = arith.addf %add3A_600, %get3A_639 : vector<16xf32>
        %add3A_641 = arith.constant 2 : i32
        %add3A_642 = arith.addi %mul3A_592, %add3A_641 : i32
        %get3A_643 = arith.constant 3 : i32
        %get3A_644 = arith.index_cast %get3A_643 : i32 to index
        %get3A_645 = arith.index_cast %add3A_642 : i32 to index
        %get3A_646 = arith.constant 16 : index
        %get3A_647 = tpu.vector_load %arg6[%get3A_644, %get3A_645, %get3A_646] {strides = array<i32>} : memref<4x200x32xf32, #tpu.memory_space<vmem>>, vector<1x1x16xf32>,
        %get3A_648 = vector.shape_cast %get3A_647 : vector<1x1x16xf32> to vector<16xf32>
        %add3A_649 = arith.addf %add3A_609, %get3A_648 : vector<16xf32>
        %add3A_650 = arith.constant 2 : i32
        %add3A_651 = arith.addi %mul3A_592, %add3A_650 : i32
        %add3A_652 = arith.constant 1 : i32
        %add3A_653 = arith.addi %add3A_651, %add3A_652 : i32
        %get3A_654 = arith.constant 3 : i32
        %get3A_655 = arith.index_cast %get3A_654 : i32 to index
        %get3A_656 = arith.index_cast %add3A_653 : i32 to index
        %get3A_657 = arith.constant 0 : index
        %get3A_658 = tpu.vector_load %arg6[%get3A_655, %get3A_656, %get3A_657] {strides = array<i32>} : memref<4x200x32xf32, #tpu.memory_space<vmem>>, vector<1x1x16xf32>,
        %get3A_659 = vector.shape_cast %get3A_658 : vector<1x1x16xf32> to vector<16xf32>
        %add3A_660 = arith.addf %add3A_620, %get3A_659 : vector<16xf32>
        %add3A_661 = arith.constant 2 : i32
        %add3A_662 = arith.addi %mul3A_592, %add3A_661 : i32
        %add3A_663 = arith.constant 1 : i32
        %add3A_664 = arith.addi %add3A_662, %add3A_663 : i32
        %get3A_665 = arith.constant 3 : i32
        %get3A_666 = arith.index_cast %get3A_665 : i32 to index
        %get3A_667 = arith.index_cast %add3A_664 : i32 to index
        %get3A_668 = arith.constant 16 : index
        %get3A_669 = tpu.vector_load %arg6[%get3A_666, %get3A_667, %get3A_668] {strides = array<i32>} : memref<4x200x32xf32, #tpu.memory_space<vmem>>, vector<1x1x16xf32>,
        %get3A_670 = vector.shape_cast %get3A_669 : vector<1x1x16xf32> to vector<16xf32>
        %add3A_671 = arith.addf %add3A_631, %get3A_670 : vector<16xf32>
        %add3A_672 = arith.constant 4 : i32
        %add3A_673 = arith.addi %mul3A_592, %add3A_672 : i32
        %get3A_674 = arith.constant 3 : i32
        %get3A_675 = arith.index_cast %get3A_674 : i32 to index
        %get3A_676 = arith.index_cast %add3A_673 : i32 to index
        %get3A_677 = arith.constant 0 : index
        %get3A_678 = tpu.vector_load %arg6[%get3A_675, %get3A_676, %get3A_677] {strides = array<i32>} : memref<4x200x32xf32, #tpu.memory_space<vmem>>, vector<1x1x16xf32>,
        %get3A_679 = vector.shape_cast %get3A_678 : vector<1x1x16xf32> to vector<16xf32>
        %add3A_680 = arith.addf %add3A_640, %get3A_679 : vector<16xf32>
        %add3A_681 = arith.constant 4 : i32
        %add3A_682 = arith.addi %mul3A_592, %add3A_681 : i32
        %get3A_683 = arith.constant 3 : i32
        %get3A_684 = arith.index_cast %get3A_683 : i32 to index
        %get3A_685 = arith.index_cast %add3A_682 : i32 to index
        %get3A_686 = arith.constant 16 : index
        %get3A_687 = tpu.vector_load %arg6[%get3A_684, %get3A_685, %get3A_686] {strides = array<i32>} : memref<4x200x32xf32, #tpu.memory_space<vmem>>, vector<1x1x16xf32>,
        %get3A_688 = vector.shape_cast %get3A_687 : vector<1x1x16xf32> to vector<16xf32>
        %add3A_689 = arith.addf %add3A_649, %get3A_688 : vector<16xf32>
        %add3A_690 = arith.constant 4 : i32
        %add3A_691 = arith.addi %mul3A_592, %add3A_690 : i32
        %add3A_692 = arith.constant 1 : i32
        %add3A_693 = arith.addi %add3A_691, %add3A_692 : i32
        %get3A_694 = arith.constant 3 : i32
        %get3A_695 = arith.index_cast %get3A_694 : i32 to index
        %get3A_696 = arith.index_cast %add3A_693 : i32 to index
        %get3A_697 = arith.constant 0 : index
        %get3A_698 = tpu.vector_load %arg6[%get3A_695, %get3A_696, %get3A_697] {strides = array<i32>} : memref<4x200x32xf32, #tpu.memory_space<vmem>>, vector<1x1x16xf32>,
        %get3A_699 = vector.shape_cast %get3A_698 : vector<1x1x16xf32> to vector<16xf32>
        %add3A_700 = arith.addf %add3A_660, %get3A_699 : vector<16xf32>
        %add3A_701 = arith.constant 4 : i32
        %add3A_702 = arith.addi %mul3A_592, %add3A_701 : i32
        %add3A_703 = arith.constant 1 : i32
        %add3A_704 = arith.addi %add3A_702, %add3A_703 : i32
        %get3A_705 = arith.constant 3 : i32
        %get3A_706 = arith.index_cast %get3A_705 : i32 to index
        %get3A_707 = arith.index_cast %add3A_704 : i32 to index
        %get3A_708 = arith.constant 16 : index
        %get3A_709 = tpu.vector_load %arg6[%get3A_706, %get3A_707, %get3A_708] {strides = array<i32>} : memref<4x200x32xf32, #tpu.memory_space<vmem>>, vector<1x1x16xf32>,
        %get3A_710 = vector.shape_cast %get3A_709 : vector<1x1x16xf32> to vector<16xf32>
        %add3A_711 = arith.addf %add3A_671, %get3A_710 : vector<16xf32>
        %add3A_712 = arith.constant 6 : i32
        %add3A_713 = arith.addi %mul3A_592, %add3A_712 : i32
        %get3A_714 = arith.constant 3 : i32
        %get3A_715 = arith.index_cast %get3A_714 : i32 to index
        %get3A_716 = arith.index_cast %add3A_713 : i32 to index
        %get3A_717 = arith.constant 0 : index
        %get3A_718 = tpu.vector_load %arg6[%get3A_715, %get3A_716, %get3A_717] {strides = array<i32>} : memref<4x200x32xf32, #tpu.memory_space<vmem>>, vector<1x1x16xf32>,
        %get3A_719 = vector.shape_cast %get3A_718 : vector<1x1x16xf32> to vector<16xf32>
        %add3A_720 = arith.addf %add3A_680, %get3A_719 : vector<16xf32>
        %add3A_721 = arith.constant 6 : i32
        %add3A_722 = arith.addi %mul3A_592, %add3A_721 : i32
        %get3A_723 = arith.constant 3 : i32
        %get3A_724 = arith.index_cast %get3A_723 : i32 to index
        %get3A_725 = arith.index_cast %add3A_722 : i32 to index
        %get3A_726 = arith.constant 16 : index
        %get3A_727 = tpu.vector_load %arg6[%get3A_724, %get3A_725, %get3A_726] {strides = array<i32>} : memref<4x200x32xf32, #tpu.memory_space<vmem>>, vector<1x1x16xf32>,
        %get3A_728 = vector.shape_cast %get3A_727 : vector<1x1x16xf32> to vector<16xf32>
        %add3A_729 = arith.addf %add3A_689, %get3A_728 : vector<16xf32>
        %add3A_730 = arith.constant 6 : i32
        %add3A_731 = arith.addi %mul3A_592, %add3A_730 : i32
        %add3A_732 = arith.constant 1 : i32
        %add3A_733 = arith.addi %add3A_731, %add3A_732 : i32
        %get3A_734 = arith.constant 3 : i32
        %get3A_735 = arith.index_cast %get3A_734 : i32 to index
        %get3A_736 = arith.index_cast %add3A_733 : i32 to index
        %get3A_737 = arith.constant 0 : index
        %get3A_738 = tpu.vector_load %arg6[%get3A_735, %get3A_736, %get3A_737] {strides = array<i32>} : memref<4x200x32xf32, #tpu.memory_space<vmem>>, vector<1x1x16xf32>,
        %get3A_739 = vector.shape_cast %get3A_738 : vector<1x1x16xf32> to vector<16xf32>
        %add3A_740 = arith.addf %add3A_700, %get3A_739 : vector<16xf32>
        %add3A_741 = arith.constant 6 : i32
        %add3A_742 = arith.addi %mul3A_592, %add3A_741 : i32
        %add3A_743 = arith.constant 1 : i32
        %add3A_744 = arith.addi %add3A_742, %add3A_743 : i32
        %get3A_745 = arith.constant 3 : i32
        %get3A_746 = arith.index_cast %get3A_745 : i32 to index
        %get3A_747 = arith.index_cast %add3A_744 : i32 to index
        %get3A_748 = arith.constant 16 : index
        %get3A_749 = tpu.vector_load %arg6[%get3A_746, %get3A_747, %get3A_748] {strides = array<i32>} : memref<4x200x32xf32, #tpu.memory_space<vmem>>, vector<1x1x16xf32>,
        %get3A_750 = vector.shape_cast %get3A_749 : vector<1x1x16xf32> to vector<16xf32>
        %add3A_751 = arith.addf %add3A_711, %get3A_750 : vector<16xf32>
        scf.yield %add3A_720, %add3A_740, %add3A_729, %add3A_751 : vector<16xf32>, vector<16xf32>, vector<16xf32>, vector<16xf32>
      }
      %scan3A_541 = arith.constant 25 : i32
      %add3A_542 = arith.addf %scan3A_540#0, %scan3A_540#1 : vector<16xf32>
      %mul3A_543 = vector.broadcast %scan3A_81 : f32 to vector<16xf32>
      %mul3A_544 = arith.mulf %add3A_542, %mul3A_543 : vector<16xf32>
      %swap3A_545 = arith.index_cast %add3A_535 : i32 to index
      %swap3A_546 = arith.constant 0 : index
      %swap3A_547 = tpu.vector_load %arg7[%swap3A_545, %swap3A_546] {strides = array<i32>} : memref<128x32xf32, #tpu.memory_space<vmem>>, vector<1x16xf32>,
      %swap3A_548 = vector.shape_cast %swap3A_547 : vector<1x16xf32> to vector<16xf32>
      %swap3A_549 = vector.shape_cast %mul3A_544 : vector<16xf32> to vector<1x16xf32>
      tpu.vector_store %arg7[%swap3A_545, %swap3A_546], %swap3A_549 {strides = array<i32>} : memref<128x32xf32, #tpu.memory_space<vmem>>, vector<1x16xf32>,
      %add3A_550 = arith.addf %scan3A_540#2, %scan3A_540#3 : vector<16xf32>
      %mul3A_551 = vector.broadcast %scan3A_81 : f32 to vector<16xf32>
      %mul3A_552 = arith.mulf %add3A_550, %mul3A_551 : vector<16xf32>
      %swap3A_553 = arith.index_cast %add3A_535 : i32 to index
      %swap3A_554 = arith.constant 16 : index
      %swap3A_555 = tpu.vector_load %arg7[%swap3A_553, %swap3A_554] {strides = array<i32>} : memref<128x32xf32, #tpu.memory_space<vmem>>, vector<1x16xf32>,
      %swap3A_556 = vector.shape_cast %swap3A_555 : vector<1x16xf32> to vector<16xf32>
      %swap3A_557 = vector.shape_cast %mul3A_552 : vector<16xf32> to vector<1x16xf32>
      tpu.vector_store %arg7[%swap3A_553, %swap3A_554], %swap3A_557 {strides = array<i32>} : memref<128x32xf32, #tpu.memory_space<vmem>>, vector<1x16xf32>,
      %add3A_558 = arith.constant 4 : i32
      %add3A_559 = arith.addi %mul3A_273, %add3A_558 : i32
      %add3A_560 = arith.constant 3 : i32
      %add3A_561 = arith.addi %add3A_559, %add3A_560 : i32
      %mul3A_562 = arith.constant 200 : i32
      %mul3A_563 = arith.muli %add3A_561, %mul3A_562 : i32
      %mul3A_564 = arith.constant 200 : i32
      %mul3A_565 = arith.muli %add3A_561, %mul3A_564 : i32
      %add3A_566 = arith.constant 104 : i32
      %add3A_567 = arith.addi %mul3A_565, %add3A_566 : i32
      %dma_start3A_568 = arith.constant 3 : i32
      %dma_start3A_569 = arith.constant 0 : i32
      %dma_start3A_570 = arith.constant 0 : i32
      %dma_start3A_571 = tpu.memref_slice %arg6[%dma_start3A_568, %dma_start3A_569, %dma_start3A_570] : memref<4x200x32xf32, #tpu.memory_space<vmem>> -> memref<1x104x32xf32, #tpu.memory_space<vmem>>
      %dma_start3A_572 = tpu.memref_squeeze %dma_start3A_571 : memref<1x104x32xf32, #tpu.memory_space<vmem>> -> memref<104x32xf32, #tpu.memory_space<vmem>>
      %dma_start3A_573 = tpu.memref_slice %arg5[%mul3A_563] : memref<25600xi32, #tpu.memory_space<vmem>> -> memref<104xi32, #tpu.memory_space<vmem>>
      %dma_start3A_574 = arith.constant 0 : i32
      %dma_start3A_575 = arith.constant 0 : i32
      %dma_start3A_576 = tpu.memref_slice %arg3[%dma_start3A_574, %dma_start3A_575] : memref<1007616x32xf32, #tpu.memory_space<hbm>> -> memref<1007616x32xf32, #tpu.memory_space<hbm>>
      tpu.enqueue_indirect_dma source(%dma_start3A_576 : memref<1007616x32xf32, #tpu.memory_space<hbm>>) target(%dma_start3A_572 : memref<104x32xf32, #tpu.memory_space<vmem>>) offsets(%dma_start3A_573 : memref<104xi32, #tpu.memory_space<vmem>>) semaphore(%arg11 : memref<!tpu.dma_semaphore, #tpu.memory_space<semaphore_mem>>)
      %dma_start3A_577 = arith.constant 3 : i32
      %dma_start3A_578 = arith.constant 104 : i32
      %dma_start3A_579 = arith.constant 0 : i32
      %dma_start3A_580 = tpu.memref_slice %arg6[%dma_start3A_577, %dma_start3A_578, %dma_start3A_579] : memref<4x200x32xf32, #tpu.memory_space<vmem>> -> memref<1x96x32xf32, #tpu.memory_space<vmem>>
      %dma_start3A_581 = tpu.memref_squeeze %dma_start3A_580 : memref<1x96x32xf32, #tpu.memory_space<vmem>> -> memref<96x32xf32, #tpu.memory_space<vmem>>
      %dma_start3A_582 = tpu.memref_slice %arg5[%add3A_567] : memref<25600xi32, #tpu.memory_space<vmem>> -> memref<96xi32, #tpu.memory_space<vmem>>
      %dma_start3A_583 = arith.constant 0 : i32
      %dma_start3A_584 = arith.constant 0 : i32
      %dma_start3A_585 = tpu.memref_slice %arg3[%dma_start3A_583, %dma_start3A_584] : memref<1007616x32xf32, #tpu.memory_space<hbm>> -> memref<1007616x32xf32, #tpu.memory_space<hbm>>
      tpu.enqueue_indirect_dma source(%dma_start3A_585 : memref<1007616x32xf32, #tpu.memory_space<hbm>>) target(%dma_start3A_581 : memref<96x32xf32, #tpu.memory_space<vmem>>) offsets(%dma_start3A_582 : memref<96xi32, #tpu.memory_space<vmem>>) semaphore(%arg11 : memref<!tpu.dma_semaphore, #tpu.memory_space<semaphore_mem>>)
    }
    %scan3A_86 = arith.constant 31 : i32
    %dma_wait3A = arith.constant 0 : i32
    %dma_wait3A_87 = arith.constant 0 : i32
    %dma_wait3A_88 = arith.constant 0 : i32
    %dma_wait3A_89 = tpu.memref_slice %arg6[%dma_wait3A, %dma_wait3A_87, %dma_wait3A_88] : memref<4x200x32xf32, #tpu.memory_space<vmem>> -> memref<1x104x32xf32, #tpu.memory_space<vmem>>
    %dma_wait3A_90 = tpu.memref_squeeze %dma_wait3A_89 : memref<1x104x32xf32, #tpu.memory_space<vmem>> -> memref<104x32xf32, #tpu.memory_space<vmem>>
    %dma_wait3A_91 = arith.constant 24800 : i32
    %dma_wait3A_92 = tpu.memref_slice %arg5[%dma_wait3A_91] : memref<25600xi32, #tpu.memory_space<vmem>> -> memref<104xi32, #tpu.memory_space<vmem>>
    %dma_wait3A_93 = arith.constant 0 : i32
    %dma_wait3A_94 = arith.constant 0 : i32
    %dma_wait3A_95 = tpu.memref_slice %arg3[%dma_wait3A_93, %dma_wait3A_94] : memref<1007616x32xf32, #tpu.memory_space<hbm>> -> memref<1007616x32xf32, #tpu.memory_space<hbm>>
    tpu.wait_indirect_dma semaphore(%arg8 : memref<!tpu.dma_semaphore, #tpu.memory_space<semaphore_mem>>) src(%dma_wait3A_95 : memref<1007616x32xf32, #tpu.memory_space<hbm>>) dst(%dma_wait3A_90 : memref<104x32xf32, #tpu.memory_space<vmem>>)
    %dma_wait3A_96 = arith.constant 0 : i32
    %dma_wait3A_97 = arith.constant 104 : i32
    %dma_wait3A_98 = arith.constant 0 : i32
    %dma_wait3A_99 = tpu.memref_slice %arg6[%dma_wait3A_96, %dma_wait3A_97, %dma_wait3A_98] : memref<4x200x32xf32, #tpu.memory_space<vmem>> -> memref<1x96x32xf32, #tpu.memory_space<vmem>>
    %dma_wait3A_100 = tpu.memref_squeeze %dma_wait3A_99 : memref<1x96x32xf32, #tpu.memory_space<vmem>> -> memref<96x32xf32, #tpu.memory_space<vmem>>
    %dma_wait3A_101 = arith.constant 24904 : i32
    %dma_wait3A_102 = tpu.memref_slice %arg5[%dma_wait3A_101] : memref<25600xi32, #tpu.memory_space<vmem>> -> memref<96xi32, #tpu.memory_space<vmem>>
    %dma_wait3A_103 = arith.constant 0 : i32
    %dma_wait3A_104 = arith.constant 0 : i32
    %dma_wait3A_105 = tpu.memref_slice %arg3[%dma_wait3A_103, %dma_wait3A_104] : memref<1007616x32xf32, #tpu.memory_space<hbm>> -> memref<1007616x32xf32, #tpu.memory_space<hbm>>
    tpu.wait_indirect_dma semaphore(%arg8 : memref<!tpu.dma_semaphore, #tpu.memory_space<semaphore_mem>>) src(%dma_wait3A_105 : memref<1007616x32xf32, #tpu.memory_space<hbm>>) dst(%dma_wait3A_100 : memref<96x32xf32, #tpu.memory_space<vmem>>)
    %scan3A_106 = arith.constant 0 : i32
    %scan3A_107 = arith.constant 25 : i32
    %scan3A_108 = arith.addi %scan3A_106, %scan3A_107 : i32
    %scan3A_109 = arith.constant 1 : i32
    %scan3A_110:4 = scf.for %scan3A_271 = %scan3A_106 to %scan3A_108 step %scan3A_109 iter_args(%scan3A_272 = %broadcast_in_dim3A_1, %scan3A_273 = %broadcast_in_dim3A_1, %scan3A_274 = %broadcast_in_dim3A_1, %scan3A_275 = %broadcast_in_dim3A_1) -> (vector<16xf32>, vector<16xf32>, vector<16xf32>, vector<16xf32>)  : i32 {
      %mul3A_276 = arith.constant 8 : i32
      %mul3A_277 = arith.muli %scan3A_271, %mul3A_276 : i32
      %add3A_278 = arith.constant 0 : i32
      %add3A_279 = arith.addi %mul3A_277, %add3A_278 : i32
      %get3A = arith.constant 0 : i32
      %get3A_280 = arith.index_cast %get3A : i32 to index
      %get3A_281 = arith.index_cast %add3A_279 : i32 to index
      %get3A_282 = arith.constant 0 : index
      %get3A_283 = tpu.vector_load %arg6[%get3A_280, %get3A_281, %get3A_282] {strides = array<i32>} : memref<4x200x32xf32, #tpu.memory_space<vmem>>, vector<1x1x16xf32>,
      %get3A_284 = vector.shape_cast %get3A_283 : vector<1x1x16xf32> to vector<16xf32>
      %add3A_285 = arith.addf %scan3A_272, %get3A_284 : vector<16xf32>
      %add3A_286 = arith.constant 0 : i32
      %add3A_287 = arith.addi %mul3A_277, %add3A_286 : i32
      %get3A_288 = arith.constant 0 : i32
      %get3A_289 = arith.index_cast %get3A_288 : i32 to index
      %get3A_290 = arith.index_cast %add3A_287 : i32 to index
      %get3A_291 = arith.constant 16 : index
      %get3A_292 = tpu.vector_load %arg6[%get3A_289, %get3A_290, %get3A_291] {strides = array<i32>} : memref<4x200x32xf32, #tpu.memory_space<vmem>>, vector<1x1x16xf32>,
      %get3A_293 = vector.shape_cast %get3A_292 : vector<1x1x16xf32> to vector<16xf32>
      %add3A_294 = arith.addf %scan3A_274, %get3A_293 : vector<16xf32>
      %add3A_295 = arith.constant 0 : i32
      %add3A_296 = arith.addi %mul3A_277, %add3A_295 : i32
      %add3A_297 = arith.constant 1 : i32
      %add3A_298 = arith.addi %add3A_296, %add3A_297 : i32
      %get3A_299 = arith.constant 0 : i32
      %get3A_300 = arith.index_cast %get3A_299 : i32 to index
      %get3A_301 = arith.index_cast %add3A_298 : i32 to index
      %get3A_302 = arith.constant 0 : index
      %get3A_303 = tpu.vector_load %arg6[%get3A_300, %get3A_301, %get3A_302] {strides = array<i32>} : memref<4x200x32xf32, #tpu.memory_space<vmem>>, vector<1x1x16xf32>,
      %get3A_304 = vector.shape_cast %get3A_303 : vector<1x1x16xf32> to vector<16xf32>
      %add3A_305 = arith.addf %scan3A_273, %get3A_304 : vector<16xf32>
      %add3A_306 = arith.constant 0 : i32
      %add3A_307 = arith.addi %mul3A_277, %add3A_306 : i32
      %add3A_308 = arith.constant 1 : i32
      %add3A_309 = arith.addi %add3A_307, %add3A_308 : i32
      %get3A_310 = arith.constant 0 : i32
      %get3A_311 = arith.index_cast %get3A_310 : i32 to index
      %get3A_312 = arith.index_cast %add3A_309 : i32 to index
      %get3A_313 = arith.constant 16 : index
      %get3A_314 = tpu.vector_load %arg6[%get3A_311, %get3A_312, %get3A_313] {strides = array<i32>} : memref<4x200x32xf32, #tpu.memory_space<vmem>>, vector<1x1x16xf32>,
      %get3A_315 = vector.shape_cast %get3A_314 : vector<1x1x16xf32> to vector<16xf32>
      %add3A_316 = arith.addf %scan3A_275, %get3A_315 : vector<16xf32>
      %add3A_317 = arith.constant 2 : i32
      %add3A_318 = arith.addi %mul3A_277, %add3A_317 : i32
      %get3A_319 = arith.constant 0 : i32
      %get3A_320 = arith.index_cast %get3A_319 : i32 to index
      %get3A_321 = arith.index_cast %add3A_318 : i32 to index
      %get3A_322 = arith.constant 0 : index
      %get3A_323 = tpu.vector_load %arg6[%get3A_320, %get3A_321, %get3A_322] {strides = array<i32>} : memref<4x200x32xf32, #tpu.memory_space<vmem>>, vector<1x1x16xf32>,
      %get3A_324 = vector.shape_cast %get3A_323 : vector<1x1x16xf32> to vector<16xf32>
      %add3A_325 = arith.addf %add3A_285, %get3A_324 : vector<16xf32>
      %add3A_326 = arith.constant 2 : i32
      %add3A_327 = arith.addi %mul3A_277, %add3A_326 : i32
      %get3A_328 = arith.constant 0 : i32
      %get3A_329 = arith.index_cast %get3A_328 : i32 to index
      %get3A_330 = arith.index_cast %add3A_327 : i32 to index
      %get3A_331 = arith.constant 16 : index
      %get3A_332 = tpu.vector_load %arg6[%get3A_329, %get3A_330, %get3A_331] {strides = array<i32>} : memref<4x200x32xf32, #tpu.memory_space<vmem>>, vector<1x1x16xf32>,
      %get3A_333 = vector.shape_cast %get3A_332 : vector<1x1x16xf32> to vector<16xf32>
      %add3A_334 = arith.addf %add3A_294, %get3A_333 : vector<16xf32>
      %add3A_335 = arith.constant 2 : i32
      %add3A_336 = arith.addi %mul3A_277, %add3A_335 : i32
      %add3A_337 = arith.constant 1 : i32
      %add3A_338 = arith.addi %add3A_336, %add3A_337 : i32
      %get3A_339 = arith.constant 0 : i32
      %get3A_340 = arith.index_cast %get3A_339 : i32 to index
      %get3A_341 = arith.index_cast %add3A_338 : i32 to index
      %get3A_342 = arith.constant 0 : index
      %get3A_343 = tpu.vector_load %arg6[%get3A_340, %get3A_341, %get3A_342] {strides = array<i32>} : memref<4x200x32xf32, #tpu.memory_space<vmem>>, vector<1x1x16xf32>,
      %get3A_344 = vector.shape_cast %get3A_343 : vector<1x1x16xf32> to vector<16xf32>
      %add3A_345 = arith.addf %add3A_305, %get3A_344 : vector<16xf32>
      %add3A_346 = arith.constant 2 : i32
      %add3A_347 = arith.addi %mul3A_277, %add3A_346 : i32
      %add3A_348 = arith.constant 1 : i32
      %add3A_349 = arith.addi %add3A_347, %add3A_348 : i32
      %get3A_350 = arith.constant 0 : i32
      %get3A_351 = arith.index_cast %get3A_350 : i32 to index
      %get3A_352 = arith.index_cast %add3A_349 : i32 to index
      %get3A_353 = arith.constant 16 : index
      %get3A_354 = tpu.vector_load %arg6[%get3A_351, %get3A_352, %get3A_353] {strides = array<i32>} : memref<4x200x32xf32, #tpu.memory_space<vmem>>, vector<1x1x16xf32>,
      %get3A_355 = vector.shape_cast %get3A_354 : vector<1x1x16xf32> to vector<16xf32>
      %add3A_356 = arith.addf %add3A_316, %get3A_355 : vector<16xf32>
      %add3A_357 = arith.constant 4 : i32
      %add3A_358 = arith.addi %mul3A_277, %add3A_357 : i32
      %get3A_359 = arith.constant 0 : i32
      %get3A_360 = arith.index_cast %get3A_359 : i32 to index
      %get3A_361 = arith.index_cast %add3A_358 : i32 to index
      %get3A_362 = arith.constant 0 : index
      %get3A_363 = tpu.vector_load %arg6[%get3A_360, %get3A_361, %get3A_362] {strides = array<i32>} : memref<4x200x32xf32, #tpu.memory_space<vmem>>, vector<1x1x16xf32>,
      %get3A_364 = vector.shape_cast %get3A_363 : vector<1x1x16xf32> to vector<16xf32>
      %add3A_365 = arith.addf %add3A_325, %get3A_364 : vector<16xf32>
      %add3A_366 = arith.constant 4 : i32
      %add3A_367 = arith.addi %mul3A_277, %add3A_366 : i32
      %get3A_368 = arith.constant 0 : i32
      %get3A_369 = arith.index_cast %get3A_368 : i32 to index
      %get3A_370 = arith.index_cast %add3A_367 : i32 to index
      %get3A_371 = arith.constant 16 : index
      %get3A_372 = tpu.vector_load %arg6[%get3A_369, %get3A_370, %get3A_371] {strides = array<i32>} : memref<4x200x32xf32, #tpu.memory_space<vmem>>, vector<1x1x16xf32>,
      %get3A_373 = vector.shape_cast %get3A_372 : vector<1x1x16xf32> to vector<16xf32>
      %add3A_374 = arith.addf %add3A_334, %get3A_373 : vector<16xf32>
      %add3A_375 = arith.constant 4 : i32
      %add3A_376 = arith.addi %mul3A_277, %add3A_375 : i32
      %add3A_377 = arith.constant 1 : i32
      %add3A_378 = arith.addi %add3A_376, %add3A_377 : i32
      %get3A_379 = arith.constant 0 : i32
      %get3A_380 = arith.index_cast %get3A_379 : i32 to index
      %get3A_381 = arith.index_cast %add3A_378 : i32 to index
      %get3A_382 = arith.constant 0 : index
      %get3A_383 = tpu.vector_load %arg6[%get3A_380, %get3A_381, %get3A_382] {strides = array<i32>} : memref<4x200x32xf32, #tpu.memory_space<vmem>>, vector<1x1x16xf32>,
      %get3A_384 = vector.shape_cast %get3A_383 : vector<1x1x16xf32> to vector<16xf32>
      %add3A_385 = arith.addf %add3A_345, %get3A_384 : vector<16xf32>
      %add3A_386 = arith.constant 4 : i32
      %add3A_387 = arith.addi %mul3A_277, %add3A_386 : i32
      %add3A_388 = arith.constant 1 : i32
      %add3A_389 = arith.addi %add3A_387, %add3A_388 : i32
      %get3A_390 = arith.constant 0 : i32
      %get3A_391 = arith.index_cast %get3A_390 : i32 to index
      %get3A_392 = arith.index_cast %add3A_389 : i32 to index
      %get3A_393 = arith.constant 16 : index
      %get3A_394 = tpu.vector_load %arg6[%get3A_391, %get3A_392, %get3A_393] {strides = array<i32>} : memref<4x200x32xf32, #tpu.memory_space<vmem>>, vector<1x1x16xf32>,
      %get3A_395 = vector.shape_cast %get3A_394 : vector<1x1x16xf32> to vector<16xf32>
      %add3A_396 = arith.addf %add3A_356, %get3A_395 : vector<16xf32>
      %add3A_397 = arith.constant 6 : i32
      %add3A_398 = arith.addi %mul3A_277, %add3A_397 : i32
      %get3A_399 = arith.constant 0 : i32
      %get3A_400 = arith.index_cast %get3A_399 : i32 to index
      %get3A_401 = arith.index_cast %add3A_398 : i32 to index
      %get3A_402 = arith.constant 0 : index
      %get3A_403 = tpu.vector_load %arg6[%get3A_400, %get3A_401, %get3A_402] {strides = array<i32>} : memref<4x200x32xf32, #tpu.memory_space<vmem>>, vector<1x1x16xf32>,
      %get3A_404 = vector.shape_cast %get3A_403 : vector<1x1x16xf32> to vector<16xf32>
      %add3A_405 = arith.addf %add3A_365, %get3A_404 : vector<16xf32>
      %add3A_406 = arith.constant 6 : i32
      %add3A_407 = arith.addi %mul3A_277, %add3A_406 : i32
      %get3A_408 = arith.constant 0 : i32
      %get3A_409 = arith.index_cast %get3A_408 : i32 to index
      %get3A_410 = arith.index_cast %add3A_407 : i32 to index
      %get3A_411 = arith.constant 16 : index
      %get3A_412 = tpu.vector_load %arg6[%get3A_409, %get3A_410, %get3A_411] {strides = array<i32>} : memref<4x200x32xf32, #tpu.memory_space<vmem>>, vector<1x1x16xf32>,
      %get3A_413 = vector.shape_cast %get3A_412 : vector<1x1x16xf32> to vector<16xf32>
      %add3A_414 = arith.addf %add3A_374, %get3A_413 : vector<16xf32>
      %add3A_415 = arith.constant 6 : i32
      %add3A_416 = arith.addi %mul3A_277, %add3A_415 : i32
      %add3A_417 = arith.constant 1 : i32
      %add3A_418 = arith.addi %add3A_416, %add3A_417 : i32
      %get3A_419 = arith.constant 0 : i32
      %get3A_420 = arith.index_cast %get3A_419 : i32 to index
      %get3A_421 = arith.index_cast %add3A_418 : i32 to index
      %get3A_422 = arith.constant 0 : index
      %get3A_423 = tpu.vector_load %arg6[%get3A_420, %get3A_421, %get3A_422] {strides = array<i32>} : memref<4x200x32xf32, #tpu.memory_space<vmem>>, vector<1x1x16xf32>,
      %get3A_424 = vector.shape_cast %get3A_423 : vector<1x1x16xf32> to vector<16xf32>
      %add3A_425 = arith.addf %add3A_385, %get3A_424 : vector<16xf32>
      %add3A_426 = arith.constant 6 : i32
      %add3A_427 = arith.addi %mul3A_277, %add3A_426 : i32
      %add3A_428 = arith.constant 1 : i32
      %add3A_429 = arith.addi %add3A_427, %add3A_428 : i32
      %get3A_430 = arith.constant 0 : i32
      %get3A_431 = arith.index_cast %get3A_430 : i32 to index
      %get3A_432 = arith.index_cast %add3A_429 : i32 to index
      %get3A_433 = arith.constant 16 : index
      %get3A_434 = tpu.vector_load %arg6[%get3A_431, %get3A_432, %get3A_433] {strides = array<i32>} : memref<4x200x32xf32, #tpu.memory_space<vmem>>, vector<1x1x16xf32>,
      %get3A_435 = vector.shape_cast %get3A_434 : vector<1x1x16xf32> to vector<16xf32>
      %add3A_436 = arith.addf %add3A_396, %get3A_435 : vector<16xf32>
      scf.yield %add3A_405, %add3A_425, %add3A_414, %add3A_436 : vector<16xf32>, vector<16xf32>, vector<16xf32>, vector<16xf32>
    }
    %scan3A_111 = arith.constant 25 : i32
    %add3A_112 = arith.addf %scan3A_110#0, %scan3A_110#1 : vector<16xf32>
    %mul3A_113 = arith.constant 5.000000e-03 : f32
    %mul3A_114 = vector.broadcast %mul3A_113 : f32 to vector<16xf32>
    %mul3A_115 = arith.mulf %add3A_112, %mul3A_114 : vector<16xf32>
    %swap3A = arith.constant 124 : i32
    %swap3A_116 = arith.index_cast %swap3A : i32 to index
    %swap3A_117 = arith.constant 0 : index
    %swap3A_118 = tpu.vector_load %arg7[%swap3A_116, %swap3A_117] {strides = array<i32>} : memref<128x32xf32, #tpu.memory_space<vmem>>, vector<1x16xf32>,
    %swap3A_119 = vector.shape_cast %swap3A_118 : vector<1x16xf32> to vector<16xf32>
    %swap3A_120 = vector.shape_cast %mul3A_115 : vector<16xf32> to vector<1x16xf32>
    tpu.vector_store %arg7[%swap3A_116, %swap3A_117], %swap3A_120 {strides = array<i32>} : memref<128x32xf32, #tpu.memory_space<vmem>>, vector<1x16xf32>,
    %add3A_121 = arith.addf %scan3A_110#2, %scan3A_110#3 : vector<16xf32>
    %mul3A_122 = arith.constant 5.000000e-03 : f32
    %mul3A_123 = vector.broadcast %mul3A_122 : f32 to vector<16xf32>
    %mul3A_124 = arith.mulf %add3A_121, %mul3A_123 : vector<16xf32>
    %swap3A_125 = arith.constant 124 : i32
    %swap3A_126 = arith.index_cast %swap3A_125 : i32 to index
    %swap3A_127 = arith.constant 16 : index
    %swap3A_128 = tpu.vector_load %arg7[%swap3A_126, %swap3A_127] {strides = array<i32>} : memref<128x32xf32, #tpu.memory_space<vmem>>, vector<1x16xf32>,
    %swap3A_129 = vector.shape_cast %swap3A_128 : vector<1x16xf32> to vector<16xf32>
    %swap3A_130 = vector.shape_cast %mul3A_124 : vector<16xf32> to vector<1x16xf32>
    tpu.vector_store %arg7[%swap3A_126, %swap3A_127], %swap3A_130 {strides = array<i32>} : memref<128x32xf32, #tpu.memory_space<vmem>>, vector<1x16xf32>,
    %dma_wait3A_131 = arith.constant 1 : i32
    %dma_wait3A_132 = arith.constant 0 : i32
    %dma_wait3A_133 = arith.constant 0 : i32
    %dma_wait3A_134 = tpu.memref_slice %arg6[%dma_wait3A_131, %dma_wait3A_132, %dma_wait3A_133] : memref<4x200x32xf32, #tpu.memory_space<vmem>> -> memref<1x104x32xf32, #tpu.memory_space<vmem>>
    %dma_wait3A_135 = tpu.memref_squeeze %dma_wait3A_134 : memref<1x104x32xf32, #tpu.memory_space<vmem>> -> memref<104x32xf32, #tpu.memory_space<vmem>>
    %dma_wait3A_136 = arith.constant 25000 : i32
    %dma_wait3A_137 = tpu.memref_slice %arg5[%dma_wait3A_136] : memref<25600xi32, #tpu.memory_space<vmem>> -> memref<104xi32, #tpu.memory_space<vmem>>
    %dma_wait3A_138 = arith.constant 0 : i32
    %dma_wait3A_139 = arith.constant 0 : i32
    %dma_wait3A_140 = tpu.memref_slice %arg3[%dma_wait3A_138, %dma_wait3A_139] : memref<1007616x32xf32, #tpu.memory_space<hbm>> -> memref<1007616x32xf32, #tpu.memory_space<hbm>>
    tpu.wait_indirect_dma semaphore(%arg9 : memref<!tpu.dma_semaphore, #tpu.memory_space<semaphore_mem>>) src(%dma_wait3A_140 : memref<1007616x32xf32, #tpu.memory_space<hbm>>) dst(%dma_wait3A_135 : memref<104x32xf32, #tpu.memory_space<vmem>>)
    %dma_wait3A_141 = arith.constant 1 : i32
    %dma_wait3A_142 = arith.constant 104 : i32
    %dma_wait3A_143 = arith.constant 0 : i32
    %dma_wait3A_144 = tpu.memref_slice %arg6[%dma_wait3A_141, %dma_wait3A_142, %dma_wait3A_143] : memref<4x200x32xf32, #tpu.memory_space<vmem>> -> memref<1x96x32xf32, #tpu.memory_space<vmem>>
    %dma_wait3A_145 = tpu.memref_squeeze %dma_wait3A_144 : memref<1x96x32xf32, #tpu.memory_space<vmem>> -> memref<96x32xf32, #tpu.memory_space<vmem>>
    %dma_wait3A_146 = arith.constant 25104 : i32
    %dma_wait3A_147 = tpu.memref_slice %arg5[%dma_wait3A_146] : memref<25600xi32, #tpu.memory_space<vmem>> -> memref<96xi32, #tpu.memory_space<vmem>>
    %dma_wait3A_148 = arith.constant 0 : i32
    %dma_wait3A_149 = arith.constant 0 : i32
    %dma_wait3A_150 = tpu.memref_slice %arg3[%dma_wait3A_148, %dma_wait3A_149] : memref<1007616x32xf32, #tpu.memory_space<hbm>> -> memref<1007616x32xf32, #tpu.memory_space<hbm>>
    tpu.wait_indirect_dma semaphore(%arg9 : memref<!tpu.dma_semaphore, #tpu.memory_space<semaphore_mem>>) src(%dma_wait3A_150 : memref<1007616x32xf32, #tpu.memory_space<hbm>>) dst(%dma_wait3A_145 : memref<96x32xf32, #tpu.memory_space<vmem>>)
    %scan3A_151 = arith.constant 0 : i32
    %scan3A_152 = arith.constant 25 : i32
    %scan3A_153 = arith.addi %scan3A_151, %scan3A_152 : i32
    %scan3A_154 = arith.constant 1 : i32
    %scan3A_155:4 = scf.for %scan3A_271 = %scan3A_151 to %scan3A_153 step %scan3A_154 iter_args(%scan3A_272 = %broadcast_in_dim3A_1, %scan3A_273 = %broadcast_in_dim3A_1, %scan3A_274 = %broadcast_in_dim3A_1, %scan3A_275 = %broadcast_in_dim3A_1) -> (vector<16xf32>, vector<16xf32>, vector<16xf32>, vector<16xf32>)  : i32 {
      %mul3A_276 = arith.constant 8 : i32
      %mul3A_277 = arith.muli %scan3A_271, %mul3A_276 : i32
      %add3A_278 = arith.constant 0 : i32
      %add3A_279 = arith.addi %mul3A_277, %add3A_278 : i32
      %get3A = arith.constant 1 : i32
      %get3A_280 = arith.index_cast %get3A : i32 to index
      %get3A_281 = arith.index_cast %add3A_279 : i32 to index
      %get3A_282 = arith.constant 0 : index
      %get3A_283 = tpu.vector_load %arg6[%get3A_280, %get3A_281, %get3A_282] {strides = array<i32>} : memref<4x200x32xf32, #tpu.memory_space<vmem>>, vector<1x1x16xf32>,
      %get3A_284 = vector.shape_cast %get3A_283 : vector<1x1x16xf32> to vector<16xf32>
      %add3A_285 = arith.addf %scan3A_272, %get3A_284 : vector<16xf32>
      %add3A_286 = arith.constant 0 : i32
      %add3A_287 = arith.addi %mul3A_277, %add3A_286 : i32
      %get3A_288 = arith.constant 1 : i32
      %get3A_289 = arith.index_cast %get3A_288 : i32 to index
      %get3A_290 = arith.index_cast %add3A_287 : i32 to index
      %get3A_291 = arith.constant 16 : index
      %get3A_292 = tpu.vector_load %arg6[%get3A_289, %get3A_290, %get3A_291] {strides = array<i32>} : memref<4x200x32xf32, #tpu.memory_space<vmem>>, vector<1x1x16xf32>,
      %get3A_293 = vector.shape_cast %get3A_292 : vector<1x1x16xf32> to vector<16xf32>
      %add3A_294 = arith.addf %scan3A_274, %get3A_293 : vector<16xf32>
      %add3A_295 = arith.constant 0 : i32
      %add3A_296 = arith.addi %mul3A_277, %add3A_295 : i32
      %add3A_297 = arith.constant 1 : i32
      %add3A_298 = arith.addi %add3A_296, %add3A_297 : i32
      %get3A_299 = arith.constant 1 : i32
      %get3A_300 = arith.index_cast %get3A_299 : i32 to index
      %get3A_301 = arith.index_cast %add3A_298 : i32 to index
      %get3A_302 = arith.constant 0 : index
      %get3A_303 = tpu.vector_load %arg6[%get3A_300, %get3A_301, %get3A_302] {strides = array<i32>} : memref<4x200x32xf32, #tpu.memory_space<vmem>>, vector<1x1x16xf32>,
      %get3A_304 = vector.shape_cast %get3A_303 : vector<1x1x16xf32> to vector<16xf32>
      %add3A_305 = arith.addf %scan3A_273, %get3A_304 : vector<16xf32>
      %add3A_306 = arith.constant 0 : i32
      %add3A_307 = arith.addi %mul3A_277, %add3A_306 : i32
      %add3A_308 = arith.constant 1 : i32
      %add3A_309 = arith.addi %add3A_307, %add3A_308 : i32
      %get3A_310 = arith.constant 1 : i32
      %get3A_311 = arith.index_cast %get3A_310 : i32 to index
      %get3A_312 = arith.index_cast %add3A_309 : i32 to index
      %get3A_313 = arith.constant 16 : index
      %get3A_314 = tpu.vector_load %arg6[%get3A_311, %get3A_312, %get3A_313] {strides = array<i32>} : memref<4x200x32xf32, #tpu.memory_space<vmem>>, vector<1x1x16xf32>,
      %get3A_315 = vector.shape_cast %get3A_314 : vector<1x1x16xf32> to vector<16xf32>
      %add3A_316 = arith.addf %scan3A_275, %get3A_315 : vector<16xf32>
      %add3A_317 = arith.constant 2 : i32
      %add3A_318 = arith.addi %mul3A_277, %add3A_317 : i32
      %get3A_319 = arith.constant 1 : i32
      %get3A_320 = arith.index_cast %get3A_319 : i32 to index
      %get3A_321 = arith.index_cast %add3A_318 : i32 to index
      %get3A_322 = arith.constant 0 : index
      %get3A_323 = tpu.vector_load %arg6[%get3A_320, %get3A_321, %get3A_322] {strides = array<i32>} : memref<4x200x32xf32, #tpu.memory_space<vmem>>, vector<1x1x16xf32>,
      %get3A_324 = vector.shape_cast %get3A_323 : vector<1x1x16xf32> to vector<16xf32>
      %add3A_325 = arith.addf %add3A_285, %get3A_324 : vector<16xf32>
      %add3A_326 = arith.constant 2 : i32
      %add3A_327 = arith.addi %mul3A_277, %add3A_326 : i32
      %get3A_328 = arith.constant 1 : i32
      %get3A_329 = arith.index_cast %get3A_328 : i32 to index
      %get3A_330 = arith.index_cast %add3A_327 : i32 to index
      %get3A_331 = arith.constant 16 : index
      %get3A_332 = tpu.vector_load %arg6[%get3A_329, %get3A_330, %get3A_331] {strides = array<i32>} : memref<4x200x32xf32, #tpu.memory_space<vmem>>, vector<1x1x16xf32>,
      %get3A_333 = vector.shape_cast %get3A_332 : vector<1x1x16xf32> to vector<16xf32>
      %add3A_334 = arith.addf %add3A_294, %get3A_333 : vector<16xf32>
      %add3A_335 = arith.constant 2 : i32
      %add3A_336 = arith.addi %mul3A_277, %add3A_335 : i32
      %add3A_337 = arith.constant 1 : i32
      %add3A_338 = arith.addi %add3A_336, %add3A_337 : i32
      %get3A_339 = arith.constant 1 : i32
      %get3A_340 = arith.index_cast %get3A_339 : i32 to index
      %get3A_341 = arith.index_cast %add3A_338 : i32 to index
      %get3A_342 = arith.constant 0 : index
      %get3A_343 = tpu.vector_load %arg6[%get3A_340, %get3A_341, %get3A_342] {strides = array<i32>} : memref<4x200x32xf32, #tpu.memory_space<vmem>>, vector<1x1x16xf32>,
      %get3A_344 = vector.shape_cast %get3A_343 : vector<1x1x16xf32> to vector<16xf32>
      %add3A_345 = arith.addf %add3A_305, %get3A_344 : vector<16xf32>
      %add3A_346 = arith.constant 2 : i32
      %add3A_347 = arith.addi %mul3A_277, %add3A_346 : i32
      %add3A_348 = arith.constant 1 : i32
      %add3A_349 = arith.addi %add3A_347, %add3A_348 : i32
      %get3A_350 = arith.constant 1 : i32
      %get3A_351 = arith.index_cast %get3A_350 : i32 to index
      %get3A_352 = arith.index_cast %add3A_349 : i32 to index
      %get3A_353 = arith.constant 16 : index
      %get3A_354 = tpu.vector_load %arg6[%get3A_351, %get3A_352, %get3A_353] {strides = array<i32>} : memref<4x200x32xf32, #tpu.memory_space<vmem>>, vector<1x1x16xf32>,
      %get3A_355 = vector.shape_cast %get3A_354 : vector<1x1x16xf32> to vector<16xf32>
      %add3A_356 = arith.addf %add3A_316, %get3A_355 : vector<16xf32>
      %add3A_357 = arith.constant 4 : i32
      %add3A_358 = arith.addi %mul3A_277, %add3A_357 : i32
      %get3A_359 = arith.constant 1 : i32
      %get3A_360 = arith.index_cast %get3A_359 : i32 to index
      %get3A_361 = arith.index_cast %add3A_358 : i32 to index
      %get3A_362 = arith.constant 0 : index
      %get3A_363 = tpu.vector_load %arg6[%get3A_360, %get3A_361, %get3A_362] {strides = array<i32>} : memref<4x200x32xf32, #tpu.memory_space<vmem>>, vector<1x1x16xf32>,
      %get3A_364 = vector.shape_cast %get3A_363 : vector<1x1x16xf32> to vector<16xf32>
      %add3A_365 = arith.addf %add3A_325, %get3A_364 : vector<16xf32>
      %add3A_366 = arith.constant 4 : i32
      %add3A_367 = arith.addi %mul3A_277, %add3A_366 : i32
      %get3A_368 = arith.constant 1 : i32
      %get3A_369 = arith.index_cast %get3A_368 : i32 to index
      %get3A_370 = arith.index_cast %add3A_367 : i32 to index
      %get3A_371 = arith.constant 16 : index
      %get3A_372 = tpu.vector_load %arg6[%get3A_369, %get3A_370, %get3A_371] {strides = array<i32>} : memref<4x200x32xf32, #tpu.memory_space<vmem>>, vector<1x1x16xf32>,
      %get3A_373 = vector.shape_cast %get3A_372 : vector<1x1x16xf32> to vector<16xf32>
      %add3A_374 = arith.addf %add3A_334, %get3A_373 : vector<16xf32>
      %add3A_375 = arith.constant 4 : i32
      %add3A_376 = arith.addi %mul3A_277, %add3A_375 : i32
      %add3A_377 = arith.constant 1 : i32
      %add3A_378 = arith.addi %add3A_376, %add3A_377 : i32
      %get3A_379 = arith.constant 1 : i32
      %get3A_380 = arith.index_cast %get3A_379 : i32 to index
      %get3A_381 = arith.index_cast %add3A_378 : i32 to index
      %get3A_382 = arith.constant 0 : index
      %get3A_383 = tpu.vector_load %arg6[%get3A_380, %get3A_381, %get3A_382] {strides = array<i32>} : memref<4x200x32xf32, #tpu.memory_space<vmem>>, vector<1x1x16xf32>,
      %get3A_384 = vector.shape_cast %get3A_383 : vector<1x1x16xf32> to vector<16xf32>
      %add3A_385 = arith.addf %add3A_345, %get3A_384 : vector<16xf32>
      %add3A_386 = arith.constant 4 : i32
      %add3A_387 = arith.addi %mul3A_277, %add3A_386 : i32
      %add3A_388 = arith.constant 1 : i32
      %add3A_389 = arith.addi %add3A_387, %add3A_388 : i32
      %get3A_390 = arith.constant 1 : i32
      %get3A_391 = arith.index_cast %get3A_390 : i32 to index
      %get3A_392 = arith.index_cast %add3A_389 : i32 to index
      %get3A_393 = arith.constant 16 : index
      %get3A_394 = tpu.vector_load %arg6[%get3A_391, %get3A_392, %get3A_393] {strides = array<i32>} : memref<4x200x32xf32, #tpu.memory_space<vmem>>, vector<1x1x16xf32>,
      %get3A_395 = vector.shape_cast %get3A_394 : vector<1x1x16xf32> to vector<16xf32>
      %add3A_396 = arith.addf %add3A_356, %get3A_395 : vector<16xf32>
      %add3A_397 = arith.constant 6 : i32
      %add3A_398 = arith.addi %mul3A_277, %add3A_397 : i32
      %get3A_399 = arith.constant 1 : i32
      %get3A_400 = arith.index_cast %get3A_399 : i32 to index
      %get3A_401 = arith.index_cast %add3A_398 : i32 to index
      %get3A_402 = arith.constant 0 : index
      %get3A_403 = tpu.vector_load %arg6[%get3A_400, %get3A_401, %get3A_402] {strides = array<i32>} : memref<4x200x32xf32, #tpu.memory_space<vmem>>, vector<1x1x16xf32>,
      %get3A_404 = vector.shape_cast %get3A_403 : vector<1x1x16xf32> to vector<16xf32>
      %add3A_405 = arith.addf %add3A_365, %get3A_404 : vector<16xf32>
      %add3A_406 = arith.constant 6 : i32
      %add3A_407 = arith.addi %mul3A_277, %add3A_406 : i32
      %get3A_408 = arith.constant 1 : i32
      %get3A_409 = arith.index_cast %get3A_408 : i32 to index
      %get3A_410 = arith.index_cast %add3A_407 : i32 to index
      %get3A_411 = arith.constant 16 : index
      %get3A_412 = tpu.vector_load %arg6[%get3A_409, %get3A_410, %get3A_411] {strides = array<i32>} : memref<4x200x32xf32, #tpu.memory_space<vmem>>, vector<1x1x16xf32>,
      %get3A_413 = vector.shape_cast %get3A_412 : vector<1x1x16xf32> to vector<16xf32>
      %add3A_414 = arith.addf %add3A_374, %get3A_413 : vector<16xf32>
      %add3A_415 = arith.constant 6 : i32
      %add3A_416 = arith.addi %mul3A_277, %add3A_415 : i32
      %add3A_417 = arith.constant 1 : i32
      %add3A_418 = arith.addi %add3A_416, %add3A_417 : i32
      %get3A_419 = arith.constant 1 : i32
      %get3A_420 = arith.index_cast %get3A_419 : i32 to index
      %get3A_421 = arith.index_cast %add3A_418 : i32 to index
      %get3A_422 = arith.constant 0 : index
      %get3A_423 = tpu.vector_load %arg6[%get3A_420, %get3A_421, %get3A_422] {strides = array<i32>} : memref<4x200x32xf32, #tpu.memory_space<vmem>>, vector<1x1x16xf32>,
      %get3A_424 = vector.shape_cast %get3A_423 : vector<1x1x16xf32> to vector<16xf32>
      %add3A_425 = arith.addf %add3A_385, %get3A_424 : vector<16xf32>
      %add3A_426 = arith.constant 6 : i32
      %add3A_427 = arith.addi %mul3A_277, %add3A_426 : i32
      %add3A_428 = arith.constant 1 : i32
      %add3A_429 = arith.addi %add3A_427, %add3A_428 : i32
      %get3A_430 = arith.constant 1 : i32
      %get3A_431 = arith.index_cast %get3A_430 : i32 to index
      %get3A_432 = arith.index_cast %add3A_429 : i32 to index
      %get3A_433 = arith.constant 16 : index
      %get3A_434 = tpu.vector_load %arg6[%get3A_431, %get3A_432, %get3A_433] {strides = array<i32>} : memref<4x200x32xf32, #tpu.memory_space<vmem>>, vector<1x1x16xf32>,
      %get3A_435 = vector.shape_cast %get3A_434 : vector<1x1x16xf32> to vector<16xf32>
      %add3A_436 = arith.addf %add3A_396, %get3A_435 : vector<16xf32>
      scf.yield %add3A_405, %add3A_425, %add3A_414, %add3A_436 : vector<16xf32>, vector<16xf32>, vector<16xf32>, vector<16xf32>
    }
    %scan3A_156 = arith.constant 25 : i32
    %add3A_157 = arith.addf %scan3A_155#0, %scan3A_155#1 : vector<16xf32>
    %mul3A_158 = arith.constant 5.000000e-03 : f32
    %mul3A_159 = vector.broadcast %mul3A_158 : f32 to vector<16xf32>
    %mul3A_160 = arith.mulf %add3A_157, %mul3A_159 : vector<16xf32>
    %swap3A_161 = arith.constant 125 : i32
    %swap3A_162 = arith.index_cast %swap3A_161 : i32 to index
    %swap3A_163 = arith.constant 0 : index
    %swap3A_164 = tpu.vector_load %arg7[%swap3A_162, %swap3A_163] {strides = array<i32>} : memref<128x32xf32, #tpu.memory_space<vmem>>, vector<1x16xf32>,
    %swap3A_165 = vector.shape_cast %swap3A_164 : vector<1x16xf32> to vector<16xf32>
    %swap3A_166 = vector.shape_cast %mul3A_160 : vector<16xf32> to vector<1x16xf32>
    tpu.vector_store %arg7[%swap3A_162, %swap3A_163], %swap3A_166 {strides = array<i32>} : memref<128x32xf32, #tpu.memory_space<vmem>>, vector<1x16xf32>,
    %add3A_167 = arith.addf %scan3A_155#2, %scan3A_155#3 : vector<16xf32>
    %mul3A_168 = arith.constant 5.000000e-03 : f32
    %mul3A_169 = vector.broadcast %mul3A_168 : f32 to vector<16xf32>
    %mul3A_170 = arith.mulf %add3A_167, %mul3A_169 : vector<16xf32>
    %swap3A_171 = arith.constant 125 : i32
    %swap3A_172 = arith.index_cast %swap3A_171 : i32 to index
    %swap3A_173 = arith.constant 16 : index
    %swap3A_174 = tpu.vector_load %arg7[%swap3A_172, %swap3A_173] {strides = array<i32>} : memref<128x32xf32, #tpu.memory_space<vmem>>, vector<1x16xf32>,
    %swap3A_175 = vector.shape_cast %swap3A_174 : vector<1x16xf32> to vector<16xf32>
    %swap3A_176 = vector.shape_cast %mul3A_170 : vector<16xf32> to vector<1x16xf32>
    tpu.vector_store %arg7[%swap3A_172, %swap3A_173], %swap3A_176 {strides = array<i32>} : memref<128x32xf32, #tpu.memory_space<vmem>>, vector<1x16xf32>,
    %dma_wait3A_177 = arith.constant 2 : i32
    %dma_wait3A_178 = arith.constant 0 : i32
    %dma_wait3A_179 = arith.constant 0 : i32
    %dma_wait3A_180 = tpu.memref_slice %arg6[%dma_wait3A_177, %dma_wait3A_178, %dma_wait3A_179] : memref<4x200x32xf32, #tpu.memory_space<vmem>> -> memref<1x104x32xf32, #tpu.memory_space<vmem>>
    %dma_wait3A_181 = tpu.memref_squeeze %dma_wait3A_180 : memref<1x104x32xf32, #tpu.memory_space<vmem>> -> memref<104x32xf32, #tpu.memory_space<vmem>>
    %dma_wait3A_182 = arith.constant 25200 : i32
    %dma_wait3A_183 = tpu.memref_slice %arg5[%dma_wait3A_182] : memref<25600xi32, #tpu.memory_space<vmem>> -> memref<104xi32, #tpu.memory_space<vmem>>
    %dma_wait3A_184 = arith.constant 0 : i32
    %dma_wait3A_185 = arith.constant 0 : i32
    %dma_wait3A_186 = tpu.memref_slice %arg3[%dma_wait3A_184, %dma_wait3A_185] : memref<1007616x32xf32, #tpu.memory_space<hbm>> -> memref<1007616x32xf32, #tpu.memory_space<hbm>>
    tpu.wait_indirect_dma semaphore(%arg10 : memref<!tpu.dma_semaphore, #tpu.memory_space<semaphore_mem>>) src(%dma_wait3A_186 : memref<1007616x32xf32, #tpu.memory_space<hbm>>) dst(%dma_wait3A_181 : memref<104x32xf32, #tpu.memory_space<vmem>>)
    %dma_wait3A_187 = arith.constant 2 : i32
    %dma_wait3A_188 = arith.constant 104 : i32
    %dma_wait3A_189 = arith.constant 0 : i32
    %dma_wait3A_190 = tpu.memref_slice %arg6[%dma_wait3A_187, %dma_wait3A_188, %dma_wait3A_189] : memref<4x200x32xf32, #tpu.memory_space<vmem>> -> memref<1x96x32xf32, #tpu.memory_space<vmem>>
    %dma_wait3A_191 = tpu.memref_squeeze %dma_wait3A_190 : memref<1x96x32xf32, #tpu.memory_space<vmem>> -> memref<96x32xf32, #tpu.memory_space<vmem>>
    %dma_wait3A_192 = arith.constant 25304 : i32
    %dma_wait3A_193 = tpu.memref_slice %arg5[%dma_wait3A_192] : memref<25600xi32, #tpu.memory_space<vmem>> -> memref<96xi32, #tpu.memory_space<vmem>>
    %dma_wait3A_194 = arith.constant 0 : i32
    %dma_wait3A_195 = arith.constant 0 : i32
    %dma_wait3A_196 = tpu.memref_slice %arg3[%dma_wait3A_194, %dma_wait3A_195] : memref<1007616x32xf32, #tpu.memory_space<hbm>> -> memref<1007616x32xf32, #tpu.memory_space<hbm>>
    tpu.wait_indirect_dma semaphore(%arg10 : memref<!tpu.dma_semaphore, #tpu.memory_space<semaphore_mem>>) src(%dma_wait3A_196 : memref<1007616x32xf32, #tpu.memory_space<hbm>>) dst(%dma_wait3A_191 : memref<96x32xf32, #tpu.memory_space<vmem>>)
    %scan3A_197 = arith.constant 0 : i32
    %scan3A_198 = arith.constant 25 : i32
    %scan3A_199 = arith.addi %scan3A_197, %scan3A_198 : i32
    %scan3A_200 = arith.constant 1 : i32
    %scan3A_201:4 = scf.for %scan3A_271 = %scan3A_197 to %scan3A_199 step %scan3A_200 iter_args(%scan3A_272 = %broadcast_in_dim3A_1, %scan3A_273 = %broadcast_in_dim3A_1, %scan3A_274 = %broadcast_in_dim3A_1, %scan3A_275 = %broadcast_in_dim3A_1) -> (vector<16xf32>, vector<16xf32>, vector<16xf32>, vector<16xf32>)  : i32 {
      %mul3A_276 = arith.constant 8 : i32
      %mul3A_277 = arith.muli %scan3A_271, %mul3A_276 : i32
      %add3A_278 = arith.constant 0 : i32
      %add3A_279 = arith.addi %mul3A_277, %add3A_278 : i32
      %get3A = arith.constant 2 : i32
      %get3A_280 = arith.index_cast %get3A : i32 to index
      %get3A_281 = arith.index_cast %add3A_279 : i32 to index
      %get3A_282 = arith.constant 0 : index
      %get3A_283 = tpu.vector_load %arg6[%get3A_280, %get3A_281, %get3A_282] {strides = array<i32>} : memref<4x200x32xf32, #tpu.memory_space<vmem>>, vector<1x1x16xf32>,
      %get3A_284 = vector.shape_cast %get3A_283 : vector<1x1x16xf32> to vector<16xf32>
      %add3A_285 = arith.addf %scan3A_272, %get3A_284 : vector<16xf32>
      %add3A_286 = arith.constant 0 : i32
      %add3A_287 = arith.addi %mul3A_277, %add3A_286 : i32
      %get3A_288 = arith.constant 2 : i32
      %get3A_289 = arith.index_cast %get3A_288 : i32 to index
      %get3A_290 = arith.index_cast %add3A_287 : i32 to index
      %get3A_291 = arith.constant 16 : index
      %get3A_292 = tpu.vector_load %arg6[%get3A_289, %get3A_290, %get3A_291] {strides = array<i32>} : memref<4x200x32xf32, #tpu.memory_space<vmem>>, vector<1x1x16xf32>,
      %get3A_293 = vector.shape_cast %get3A_292 : vector<1x1x16xf32> to vector<16xf32>
      %add3A_294 = arith.addf %scan3A_274, %get3A_293 : vector<16xf32>
      %add3A_295 = arith.constant 0 : i32
      %add3A_296 = arith.addi %mul3A_277, %add3A_295 : i32
      %add3A_297 = arith.constant 1 : i32
      %add3A_298 = arith.addi %add3A_296, %add3A_297 : i32
      %get3A_299 = arith.constant 2 : i32
      %get3A_300 = arith.index_cast %get3A_299 : i32 to index
      %get3A_301 = arith.index_cast %add3A_298 : i32 to index
      %get3A_302 = arith.constant 0 : index
      %get3A_303 = tpu.vector_load %arg6[%get3A_300, %get3A_301, %get3A_302] {strides = array<i32>} : memref<4x200x32xf32, #tpu.memory_space<vmem>>, vector<1x1x16xf32>,
      %get3A_304 = vector.shape_cast %get3A_303 : vector<1x1x16xf32> to vector<16xf32>
      %add3A_305 = arith.addf %scan3A_273, %get3A_304 : vector<16xf32>
      %add3A_306 = arith.constant 0 : i32
      %add3A_307 = arith.addi %mul3A_277, %add3A_306 : i32
      %add3A_308 = arith.constant 1 : i32
      %add3A_309 = arith.addi %add3A_307, %add3A_308 : i32
      %get3A_310 = arith.constant 2 : i32
      %get3A_311 = arith.index_cast %get3A_310 : i32 to index
      %get3A_312 = arith.index_cast %add3A_309 : i32 to index
      %get3A_313 = arith.constant 16 : index
      %get3A_314 = tpu.vector_load %arg6[%get3A_311, %get3A_312, %get3A_313] {strides = array<i32>} : memref<4x200x32xf32, #tpu.memory_space<vmem>>, vector<1x1x16xf32>,
      %get3A_315 = vector.shape_cast %get3A_314 : vector<1x1x16xf32> to vector<16xf32>
      %add3A_316 = arith.addf %scan3A_275, %get3A_315 : vector<16xf32>
      %add3A_317 = arith.constant 2 : i32
      %add3A_318 = arith.addi %mul3A_277, %add3A_317 : i32
      %get3A_319 = arith.constant 2 : i32
      %get3A_320 = arith.index_cast %get3A_319 : i32 to index
      %get3A_321 = arith.index_cast %add3A_318 : i32 to index
      %get3A_322 = arith.constant 0 : index
      %get3A_323 = tpu.vector_load %arg6[%get3A_320, %get3A_321, %get3A_322] {strides = array<i32>} : memref<4x200x32xf32, #tpu.memory_space<vmem>>, vector<1x1x16xf32>,
      %get3A_324 = vector.shape_cast %get3A_323 : vector<1x1x16xf32> to vector<16xf32>
      %add3A_325 = arith.addf %add3A_285, %get3A_324 : vector<16xf32>
      %add3A_326 = arith.constant 2 : i32
      %add3A_327 = arith.addi %mul3A_277, %add3A_326 : i32
      %get3A_328 = arith.constant 2 : i32
      %get3A_329 = arith.index_cast %get3A_328 : i32 to index
      %get3A_330 = arith.index_cast %add3A_327 : i32 to index
      %get3A_331 = arith.constant 16 : index
      %get3A_332 = tpu.vector_load %arg6[%get3A_329, %get3A_330, %get3A_331] {strides = array<i32>} : memref<4x200x32xf32, #tpu.memory_space<vmem>>, vector<1x1x16xf32>,
      %get3A_333 = vector.shape_cast %get3A_332 : vector<1x1x16xf32> to vector<16xf32>
      %add3A_334 = arith.addf %add3A_294, %get3A_333 : vector<16xf32>
      %add3A_335 = arith.constant 2 : i32
      %add3A_336 = arith.addi %mul3A_277, %add3A_335 : i32
      %add3A_337 = arith.constant 1 : i32
      %add3A_338 = arith.addi %add3A_336, %add3A_337 : i32
      %get3A_339 = arith.constant 2 : i32
      %get3A_340 = arith.index_cast %get3A_339 : i32 to index
      %get3A_341 = arith.index_cast %add3A_338 : i32 to index
      %get3A_342 = arith.constant 0 : index
      %get3A_343 = tpu.vector_load %arg6[%get3A_340, %get3A_341, %get3A_342] {strides = array<i32>} : memref<4x200x32xf32, #tpu.memory_space<vmem>>, vector<1x1x16xf32>,
      %get3A_344 = vector.shape_cast %get3A_343 : vector<1x1x16xf32> to vector<16xf32>
      %add3A_345 = arith.addf %add3A_305, %get3A_344 : vector<16xf32>
      %add3A_346 = arith.constant 2 : i32
      %add3A_347 = arith.addi %mul3A_277, %add3A_346 : i32
      %add3A_348 = arith.constant 1 : i32
      %add3A_349 = arith.addi %add3A_347, %add3A_348 : i32
      %get3A_350 = arith.constant 2 : i32
      %get3A_351 = arith.index_cast %get3A_350 : i32 to index
      %get3A_352 = arith.index_cast %add3A_349 : i32 to index
      %get3A_353 = arith.constant 16 : index
      %get3A_354 = tpu.vector_load %arg6[%get3A_351, %get3A_352, %get3A_353] {strides = array<i32>} : memref<4x200x32xf32, #tpu.memory_space<vmem>>, vector<1x1x16xf32>,
      %get3A_355 = vector.shape_cast %get3A_354 : vector<1x1x16xf32> to vector<16xf32>
      %add3A_356 = arith.addf %add3A_316, %get3A_355 : vector<16xf32>
      %add3A_357 = arith.constant 4 : i32
      %add3A_358 = arith.addi %mul3A_277, %add3A_357 : i32
      %get3A_359 = arith.constant 2 : i32
      %get3A_360 = arith.index_cast %get3A_359 : i32 to index
      %get3A_361 = arith.index_cast %add3A_358 : i32 to index
      %get3A_362 = arith.constant 0 : index
      %get3A_363 = tpu.vector_load %arg6[%get3A_360, %get3A_361, %get3A_362] {strides = array<i32>} : memref<4x200x32xf32, #tpu.memory_space<vmem>>, vector<1x1x16xf32>,
      %get3A_364 = vector.shape_cast %get3A_363 : vector<1x1x16xf32> to vector<16xf32>
      %add3A_365 = arith.addf %add3A_325, %get3A_364 : vector<16xf32>
      %add3A_366 = arith.constant 4 : i32
      %add3A_367 = arith.addi %mul3A_277, %add3A_366 : i32
      %get3A_368 = arith.constant 2 : i32
      %get3A_369 = arith.index_cast %get3A_368 : i32 to index
      %get3A_370 = arith.index_cast %add3A_367 : i32 to index
      %get3A_371 = arith.constant 16 : index
      %get3A_372 = tpu.vector_load %arg6[%get3A_369, %get3A_370, %get3A_371] {strides = array<i32>} : memref<4x200x32xf32, #tpu.memory_space<vmem>>, vector<1x1x16xf32>,
      %get3A_373 = vector.shape_cast %get3A_372 : vector<1x1x16xf32> to vector<16xf32>
      %add3A_374 = arith.addf %add3A_334, %get3A_373 : vector<16xf32>
      %add3A_375 = arith.constant 4 : i32
      %add3A_376 = arith.addi %mul3A_277, %add3A_375 : i32
      %add3A_377 = arith.constant 1 : i32
      %add3A_378 = arith.addi %add3A_376, %add3A_377 : i32
      %get3A_379 = arith.constant 2 : i32
      %get3A_380 = arith.index_cast %get3A_379 : i32 to index
      %get3A_381 = arith.index_cast %add3A_378 : i32 to index
      %get3A_382 = arith.constant 0 : index
      %get3A_383 = tpu.vector_load %arg6[%get3A_380, %get3A_381, %get3A_382] {strides = array<i32>} : memref<4x200x32xf32, #tpu.memory_space<vmem>>, vector<1x1x16xf32>,
      %get3A_384 = vector.shape_cast %get3A_383 : vector<1x1x16xf32> to vector<16xf32>
      %add3A_385 = arith.addf %add3A_345, %get3A_384 : vector<16xf32>
      %add3A_386 = arith.constant 4 : i32
      %add3A_387 = arith.addi %mul3A_277, %add3A_386 : i32
      %add3A_388 = arith.constant 1 : i32
      %add3A_389 = arith.addi %add3A_387, %add3A_388 : i32
      %get3A_390 = arith.constant 2 : i32
      %get3A_391 = arith.index_cast %get3A_390 : i32 to index
      %get3A_392 = arith.index_cast %add3A_389 : i32 to index
      %get3A_393 = arith.constant 16 : index
      %get3A_394 = tpu.vector_load %arg6[%get3A_391, %get3A_392, %get3A_393] {strides = array<i32>} : memref<4x200x32xf32, #tpu.memory_space<vmem>>, vector<1x1x16xf32>,
      %get3A_395 = vector.shape_cast %get3A_394 : vector<1x1x16xf32> to vector<16xf32>
      %add3A_396 = arith.addf %add3A_356, %get3A_395 : vector<16xf32>
      %add3A_397 = arith.constant 6 : i32
      %add3A_398 = arith.addi %mul3A_277, %add3A_397 : i32
      %get3A_399 = arith.constant 2 : i32
      %get3A_400 = arith.index_cast %get3A_399 : i32 to index
      %get3A_401 = arith.index_cast %add3A_398 : i32 to index
      %get3A_402 = arith.constant 0 : index
      %get3A_403 = tpu.vector_load %arg6[%get3A_400, %get3A_401, %get3A_402] {strides = array<i32>} : memref<4x200x32xf32, #tpu.memory_space<vmem>>, vector<1x1x16xf32>,
      %get3A_404 = vector.shape_cast %get3A_403 : vector<1x1x16xf32> to vector<16xf32>
      %add3A_405 = arith.addf %add3A_365, %get3A_404 : vector<16xf32>
      %add3A_406 = arith.constant 6 : i32
      %add3A_407 = arith.addi %mul3A_277, %add3A_406 : i32
      %get3A_408 = arith.constant 2 : i32
      %get3A_409 = arith.index_cast %get3A_408 : i32 to index
      %get3A_410 = arith.index_cast %add3A_407 : i32 to index
      %get3A_411 = arith.constant 16 : index
      %get3A_412 = tpu.vector_load %arg6[%get3A_409, %get3A_410, %get3A_411] {strides = array<i32>} : memref<4x200x32xf32, #tpu.memory_space<vmem>>, vector<1x1x16xf32>,
      %get3A_413 = vector.shape_cast %get3A_412 : vector<1x1x16xf32> to vector<16xf32>
      %add3A_414 = arith.addf %add3A_374, %get3A_413 : vector<16xf32>
      %add3A_415 = arith.constant 6 : i32
      %add3A_416 = arith.addi %mul3A_277, %add3A_415 : i32
      %add3A_417 = arith.constant 1 : i32
      %add3A_418 = arith.addi %add3A_416, %add3A_417 : i32
      %get3A_419 = arith.constant 2 : i32
      %get3A_420 = arith.index_cast %get3A_419 : i32 to index
      %get3A_421 = arith.index_cast %add3A_418 : i32 to index
      %get3A_422 = arith.constant 0 : index
      %get3A_423 = tpu.vector_load %arg6[%get3A_420, %get3A_421, %get3A_422] {strides = array<i32>} : memref<4x200x32xf32, #tpu.memory_space<vmem>>, vector<1x1x16xf32>,
      %get3A_424 = vector.shape_cast %get3A_423 : vector<1x1x16xf32> to vector<16xf32>
      %add3A_425 = arith.addf %add3A_385, %get3A_424 : vector<16xf32>
      %add3A_426 = arith.constant 6 : i32
      %add3A_427 = arith.addi %mul3A_277, %add3A_426 : i32
      %add3A_428 = arith.constant 1 : i32
      %add3A_429 = arith.addi %add3A_427, %add3A_428 : i32
      %get3A_430 = arith.constant 2 : i32
      %get3A_431 = arith.index_cast %get3A_430 : i32 to index
      %get3A_432 = arith.index_cast %add3A_429 : i32 to index
      %get3A_433 = arith.constant 16 : index
      %get3A_434 = tpu.vector_load %arg6[%get3A_431, %get3A_432, %get3A_433] {strides = array<i32>} : memref<4x200x32xf32, #tpu.memory_space<vmem>>, vector<1x1x16xf32>,
      %get3A_435 = vector.shape_cast %get3A_434 : vector<1x1x16xf32> to vector<16xf32>
      %add3A_436 = arith.addf %add3A_396, %get3A_435 : vector<16xf32>
      scf.yield %add3A_405, %add3A_425, %add3A_414, %add3A_436 : vector<16xf32>, vector<16xf32>, vector<16xf32>, vector<16xf32>
    }
    %scan3A_202 = arith.constant 25 : i32
    %add3A_203 = arith.addf %scan3A_201#0, %scan3A_201#1 : vector<16xf32>
    %mul3A_204 = arith.constant 5.000000e-03 : f32
    %mul3A_205 = vector.broadcast %mul3A_204 : f32 to vector<16xf32>
    %mul3A_206 = arith.mulf %add3A_203, %mul3A_205 : vector<16xf32>
    %swap3A_207 = arith.constant 126 : i32
    %swap3A_208 = arith.index_cast %swap3A_207 : i32 to index
    %swap3A_209 = arith.constant 0 : index
    %swap3A_210 = tpu.vector_load %arg7[%swap3A_208, %swap3A_209] {strides = array<i32>} : memref<128x32xf32, #tpu.memory_space<vmem>>, vector<1x16xf32>,
    %swap3A_211 = vector.shape_cast %swap3A_210 : vector<1x16xf32> to vector<16xf32>
    %swap3A_212 = vector.shape_cast %mul3A_206 : vector<16xf32> to vector<1x16xf32>
    tpu.vector_store %arg7[%swap3A_208, %swap3A_209], %swap3A_212 {strides = array<i32>} : memref<128x32xf32, #tpu.memory_space<vmem>>, vector<1x16xf32>,
    %add3A_213 = arith.addf %scan3A_201#2, %scan3A_201#3 : vector<16xf32>
    %mul3A_214 = arith.constant 5.000000e-03 : f32
    %mul3A_215 = vector.broadcast %mul3A_214 : f32 to vector<16xf32>
    %mul3A_216 = arith.mulf %add3A_213, %mul3A_215 : vector<16xf32>
    %swap3A_217 = arith.constant 126 : i32
    %swap3A_218 = arith.index_cast %swap3A_217 : i32 to index
    %swap3A_219 = arith.constant 16 : index
    %swap3A_220 = tpu.vector_load %arg7[%swap3A_218, %swap3A_219] {strides = array<i32>} : memref<128x32xf32, #tpu.memory_space<vmem>>, vector<1x16xf32>,
    %swap3A_221 = vector.shape_cast %swap3A_220 : vector<1x16xf32> to vector<16xf32>
    %swap3A_222 = vector.shape_cast %mul3A_216 : vector<16xf32> to vector<1x16xf32>
    tpu.vector_store %arg7[%swap3A_218, %swap3A_219], %swap3A_222 {strides = array<i32>} : memref<128x32xf32, #tpu.memory_space<vmem>>, vector<1x16xf32>,
    %dma_wait3A_223 = arith.constant 3 : i32
    %dma_wait3A_224 = arith.constant 0 : i32
    %dma_wait3A_225 = arith.constant 0 : i32
    %dma_wait3A_226 = tpu.memref_slice %arg6[%dma_wait3A_223, %dma_wait3A_224, %dma_wait3A_225] : memref<4x200x32xf32, #tpu.memory_space<vmem>> -> memref<1x104x32xf32, #tpu.memory_space<vmem>>
    %dma_wait3A_227 = tpu.memref_squeeze %dma_wait3A_226 : memref<1x104x32xf32, #tpu.memory_space<vmem>> -> memref<104x32xf32, #tpu.memory_space<vmem>>
    %dma_wait3A_228 = arith.constant 25400 : i32
    %dma_wait3A_229 = tpu.memref_slice %arg5[%dma_wait3A_228] : memref<25600xi32, #tpu.memory_space<vmem>> -> memref<104xi32, #tpu.memory_space<vmem>>
    %dma_wait3A_230 = arith.constant 0 : i32
    %dma_wait3A_231 = arith.constant 0 : i32
    %dma_wait3A_232 = tpu.memref_slice %arg3[%dma_wait3A_230, %dma_wait3A_231] : memref<1007616x32xf32, #tpu.memory_space<hbm>> -> memref<1007616x32xf32, #tpu.memory_space<hbm>>
    tpu.wait_indirect_dma semaphore(%arg11 : memref<!tpu.dma_semaphore, #tpu.memory_space<semaphore_mem>>) src(%dma_wait3A_232 : memref<1007616x32xf32, #tpu.memory_space<hbm>>) dst(%dma_wait3A_227 : memref<104x32xf32, #tpu.memory_space<vmem>>)
    %dma_wait3A_233 = arith.constant 3 : i32
    %dma_wait3A_234 = arith.constant 104 : i32
    %dma_wait3A_235 = arith.constant 0 : i32
    %dma_wait3A_236 = tpu.memref_slice %arg6[%dma_wait3A_233, %dma_wait3A_234, %dma_wait3A_235] : memref<4x200x32xf32, #tpu.memory_space<vmem>> -> memref<1x96x32xf32, #tpu.memory_space<vmem>>
    %dma_wait3A_237 = tpu.memref_squeeze %dma_wait3A_236 : memref<1x96x32xf32, #tpu.memory_space<vmem>> -> memref<96x32xf32, #tpu.memory_space<vmem>>
    %dma_wait3A_238 = arith.constant 25504 : i32
    %dma_wait3A_239 = tpu.memref_slice %arg5[%dma_wait3A_238] : memref<25600xi32, #tpu.memory_space<vmem>> -> memref<96xi32, #tpu.memory_space<vmem>>
    %dma_wait3A_240 = arith.constant 0 : i32
    %dma_wait3A_241 = arith.constant 0 : i32
    %dma_wait3A_242 = tpu.memref_slice %arg3[%dma_wait3A_240, %dma_wait3A_241] : memref<1007616x32xf32, #tpu.memory_space<hbm>> -> memref<1007616x32xf32, #tpu.memory_space<hbm>>
    tpu.wait_indirect_dma semaphore(%arg11 : memref<!tpu.dma_semaphore, #tpu.memory_space<semaphore_mem>>) src(%dma_wait3A_242 : memref<1007616x32xf32, #tpu.memory_space<hbm>>) dst(%dma_wait3A_237 : memref<96x32xf32, #tpu.memory_space<vmem>>)
    %scan3A_243 = arith.constant 0 : i32
    %scan3A_244 = arith.constant 25 : i32
    %scan3A_245 = arith.addi %scan3A_243, %scan3A_244 : i32
    %scan3A_246 = arith.constant 1 : i32
    %scan3A_247:4 = scf.for %scan3A_271 = %scan3A_243 to %scan3A_245 step %scan3A_246 iter_args(%scan3A_272 = %broadcast_in_dim3A_1, %scan3A_273 = %broadcast_in_dim3A_1, %scan3A_274 = %broadcast_in_dim3A_1, %scan3A_275 = %broadcast_in_dim3A_1) -> (vector<16xf32>, vector<16xf32>, vector<16xf32>, vector<16xf32>)  : i32 {
      %mul3A_276 = arith.constant 8 : i32
      %mul3A_277 = arith.muli %scan3A_271, %mul3A_276 : i32
      %add3A_278 = arith.constant 0 : i32
      %add3A_279 = arith.addi %mul3A_277, %add3A_278 : i32
      %get3A = arith.constant 3 : i32
      %get3A_280 = arith.index_cast %get3A : i32 to index
      %get3A_281 = arith.index_cast %add3A_279 : i32 to index
      %get3A_282 = arith.constant 0 : index
      %get3A_283 = tpu.vector_load %arg6[%get3A_280, %get3A_281, %get3A_282] {strides = array<i32>} : memref<4x200x32xf32, #tpu.memory_space<vmem>>, vector<1x1x16xf32>,
      %get3A_284 = vector.shape_cast %get3A_283 : vector<1x1x16xf32> to vector<16xf32>
      %add3A_285 = arith.addf %scan3A_272, %get3A_284 : vector<16xf32>
      %add3A_286 = arith.constant 0 : i32
      %add3A_287 = arith.addi %mul3A_277, %add3A_286 : i32
      %get3A_288 = arith.constant 3 : i32
      %get3A_289 = arith.index_cast %get3A_288 : i32 to index
      %get3A_290 = arith.index_cast %add3A_287 : i32 to index
      %get3A_291 = arith.constant 16 : index
      %get3A_292 = tpu.vector_load %arg6[%get3A_289, %get3A_290, %get3A_291] {strides = array<i32>} : memref<4x200x32xf32, #tpu.memory_space<vmem>>, vector<1x1x16xf32>,
      %get3A_293 = vector.shape_cast %get3A_292 : vector<1x1x16xf32> to vector<16xf32>
      %add3A_294 = arith.addf %scan3A_274, %get3A_293 : vector<16xf32>
      %add3A_295 = arith.constant 0 : i32
      %add3A_296 = arith.addi %mul3A_277, %add3A_295 : i32
      %add3A_297 = arith.constant 1 : i32
      %add3A_298 = arith.addi %add3A_296, %add3A_297 : i32
      %get3A_299 = arith.constant 3 : i32
      %get3A_300 = arith.index_cast %get3A_299 : i32 to index
      %get3A_301 = arith.index_cast %add3A_298 : i32 to index
      %get3A_302 = arith.constant 0 : index
      %get3A_303 = tpu.vector_load %arg6[%get3A_300, %get3A_301, %get3A_302] {strides = array<i32>} : memref<4x200x32xf32, #tpu.memory_space<vmem>>, vector<1x1x16xf32>,
      %get3A_304 = vector.shape_cast %get3A_303 : vector<1x1x16xf32> to vector<16xf32>
      %add3A_305 = arith.addf %scan3A_273, %get3A_304 : vector<16xf32>
      %add3A_306 = arith.constant 0 : i32
      %add3A_307 = arith.addi %mul3A_277, %add3A_306 : i32
      %add3A_308 = arith.constant 1 : i32
      %add3A_309 = arith.addi %add3A_307, %add3A_308 : i32
      %get3A_310 = arith.constant 3 : i32
      %get3A_311 = arith.index_cast %get3A_310 : i32 to index
      %get3A_312 = arith.index_cast %add3A_309 : i32 to index
      %get3A_313 = arith.constant 16 : index
      %get3A_314 = tpu.vector_load %arg6[%get3A_311, %get3A_312, %get3A_313] {strides = array<i32>} : memref<4x200x32xf32, #tpu.memory_space<vmem>>, vector<1x1x16xf32>,
      %get3A_315 = vector.shape_cast %get3A_314 : vector<1x1x16xf32> to vector<16xf32>
      %add3A_316 = arith.addf %scan3A_275, %get3A_315 : vector<16xf32>
      %add3A_317 = arith.constant 2 : i32
      %add3A_318 = arith.addi %mul3A_277, %add3A_317 : i32
      %get3A_319 = arith.constant 3 : i32
      %get3A_320 = arith.index_cast %get3A_319 : i32 to index
      %get3A_321 = arith.index_cast %add3A_318 : i32 to index
      %get3A_322 = arith.constant 0 : index
      %get3A_323 = tpu.vector_load %arg6[%get3A_320, %get3A_321, %get3A_322] {strides = array<i32>} : memref<4x200x32xf32, #tpu.memory_space<vmem>>, vector<1x1x16xf32>,
      %get3A_324 = vector.shape_cast %get3A_323 : vector<1x1x16xf32> to vector<16xf32>
      %add3A_325 = arith.addf %add3A_285, %get3A_324 : vector<16xf32>
      %add3A_326 = arith.constant 2 : i32
      %add3A_327 = arith.addi %mul3A_277, %add3A_326 : i32
      %get3A_328 = arith.constant 3 : i32
      %get3A_329 = arith.index_cast %get3A_328 : i32 to index
      %get3A_330 = arith.index_cast %add3A_327 : i32 to index
      %get3A_331 = arith.constant 16 : index
      %get3A_332 = tpu.vector_load %arg6[%get3A_329, %get3A_330, %get3A_331] {strides = array<i32>} : memref<4x200x32xf32, #tpu.memory_space<vmem>>, vector<1x1x16xf32>,
      %get3A_333 = vector.shape_cast %get3A_332 : vector<1x1x16xf32> to vector<16xf32>
      %add3A_334 = arith.addf %add3A_294, %get3A_333 : vector<16xf32>
      %add3A_335 = arith.constant 2 : i32
      %add3A_336 = arith.addi %mul3A_277, %add3A_335 : i32
      %add3A_337 = arith.constant 1 : i32
      %add3A_338 = arith.addi %add3A_336, %add3A_337 : i32
      %get3A_339 = arith.constant 3 : i32
      %get3A_340 = arith.index_cast %get3A_339 : i32 to index
      %get3A_341 = arith.index_cast %add3A_338 : i32 to index
      %get3A_342 = arith.constant 0 : index
      %get3A_343 = tpu.vector_load %arg6[%get3A_340, %get3A_341, %get3A_342] {strides = array<i32>} : memref<4x200x32xf32, #tpu.memory_space<vmem>>, vector<1x1x16xf32>,
      %get3A_344 = vector.shape_cast %get3A_343 : vector<1x1x16xf32> to vector<16xf32>
      %add3A_345 = arith.addf %add3A_305, %get3A_344 : vector<16xf32>
      %add3A_346 = arith.constant 2 : i32
      %add3A_347 = arith.addi %mul3A_277, %add3A_346 : i32
      %add3A_348 = arith.constant 1 : i32
      %add3A_349 = arith.addi %add3A_347, %add3A_348 : i32
      %get3A_350 = arith.constant 3 : i32
      %get3A_351 = arith.index_cast %get3A_350 : i32 to index
      %get3A_352 = arith.index_cast %add3A_349 : i32 to index
      %get3A_353 = arith.constant 16 : index
      %get3A_354 = tpu.vector_load %arg6[%get3A_351, %get3A_352, %get3A_353] {strides = array<i32>} : memref<4x200x32xf32, #tpu.memory_space<vmem>>, vector<1x1x16xf32>,
      %get3A_355 = vector.shape_cast %get3A_354 : vector<1x1x16xf32> to vector<16xf32>
      %add3A_356 = arith.addf %add3A_316, %get3A_355 : vector<16xf32>
      %add3A_357 = arith.constant 4 : i32
      %add3A_358 = arith.addi %mul3A_277, %add3A_357 : i32
      %get3A_359 = arith.constant 3 : i32
      %get3A_360 = arith.index_cast %get3A_359 : i32 to index
      %get3A_361 = arith.index_cast %add3A_358 : i32 to index
      %get3A_362 = arith.constant 0 : index
      %get3A_363 = tpu.vector_load %arg6[%get3A_360, %get3A_361, %get3A_362] {strides = array<i32>} : memref<4x200x32xf32, #tpu.memory_space<vmem>>, vector<1x1x16xf32>,
      %get3A_364 = vector.shape_cast %get3A_363 : vector<1x1x16xf32> to vector<16xf32>
      %add3A_365 = arith.addf %add3A_325, %get3A_364 : vector<16xf32>
      %add3A_366 = arith.constant 4 : i32
      %add3A_367 = arith.addi %mul3A_277, %add3A_366 : i32
      %get3A_368 = arith.constant 3 : i32
      %get3A_369 = arith.index_cast %get3A_368 : i32 to index
      %get3A_370 = arith.index_cast %add3A_367 : i32 to index
      %get3A_371 = arith.constant 16 : index
      %get3A_372 = tpu.vector_load %arg6[%get3A_369, %get3A_370, %get3A_371] {strides = array<i32>} : memref<4x200x32xf32, #tpu.memory_space<vmem>>, vector<1x1x16xf32>,
      %get3A_373 = vector.shape_cast %get3A_372 : vector<1x1x16xf32> to vector<16xf32>
      %add3A_374 = arith.addf %add3A_334, %get3A_373 : vector<16xf32>
      %add3A_375 = arith.constant 4 : i32
      %add3A_376 = arith.addi %mul3A_277, %add3A_375 : i32
      %add3A_377 = arith.constant 1 : i32
      %add3A_378 = arith.addi %add3A_376, %add3A_377 : i32
      %get3A_379 = arith.constant 3 : i32
      %get3A_380 = arith.index_cast %get3A_379 : i32 to index
      %get3A_381 = arith.index_cast %add3A_378 : i32 to index
      %get3A_382 = arith.constant 0 : index
      %get3A_383 = tpu.vector_load %arg6[%get3A_380, %get3A_381, %get3A_382] {strides = array<i32>} : memref<4x200x32xf32, #tpu.memory_space<vmem>>, vector<1x1x16xf32>,
      %get3A_384 = vector.shape_cast %get3A_383 : vector<1x1x16xf32> to vector<16xf32>
      %add3A_385 = arith.addf %add3A_345, %get3A_384 : vector<16xf32>
      %add3A_386 = arith.constant 4 : i32
      %add3A_387 = arith.addi %mul3A_277, %add3A_386 : i32
      %add3A_388 = arith.constant 1 : i32
      %add3A_389 = arith.addi %add3A_387, %add3A_388 : i32
      %get3A_390 = arith.constant 3 : i32
      %get3A_391 = arith.index_cast %get3A_390 : i32 to index
      %get3A_392 = arith.index_cast %add3A_389 : i32 to index
      %get3A_393 = arith.constant 16 : index
      %get3A_394 = tpu.vector_load %arg6[%get3A_391, %get3A_392, %get3A_393] {strides = array<i32>} : memref<4x200x32xf32, #tpu.memory_space<vmem>>, vector<1x1x16xf32>,
      %get3A_395 = vector.shape_cast %get3A_394 : vector<1x1x16xf32> to vector<16xf32>
      %add3A_396 = arith.addf %add3A_356, %get3A_395 : vector<16xf32>
      %add3A_397 = arith.constant 6 : i32
      %add3A_398 = arith.addi %mul3A_277, %add3A_397 : i32
      %get3A_399 = arith.constant 3 : i32
      %get3A_400 = arith.index_cast %get3A_399 : i32 to index
      %get3A_401 = arith.index_cast %add3A_398 : i32 to index
      %get3A_402 = arith.constant 0 : index
      %get3A_403 = tpu.vector_load %arg6[%get3A_400, %get3A_401, %get3A_402] {strides = array<i32>} : memref<4x200x32xf32, #tpu.memory_space<vmem>>, vector<1x1x16xf32>,
      %get3A_404 = vector.shape_cast %get3A_403 : vector<1x1x16xf32> to vector<16xf32>
      %add3A_405 = arith.addf %add3A_365, %get3A_404 : vector<16xf32>
      %add3A_406 = arith.constant 6 : i32
      %add3A_407 = arith.addi %mul3A_277, %add3A_406 : i32
      %get3A_408 = arith.constant 3 : i32
      %get3A_409 = arith.index_cast %get3A_408 : i32 to index
      %get3A_410 = arith.index_cast %add3A_407 : i32 to index
      %get3A_411 = arith.constant 16 : index
      %get3A_412 = tpu.vector_load %arg6[%get3A_409, %get3A_410, %get3A_411] {strides = array<i32>} : memref<4x200x32xf32, #tpu.memory_space<vmem>>, vector<1x1x16xf32>,
      %get3A_413 = vector.shape_cast %get3A_412 : vector<1x1x16xf32> to vector<16xf32>
      %add3A_414 = arith.addf %add3A_374, %get3A_413 : vector<16xf32>
      %add3A_415 = arith.constant 6 : i32
      %add3A_416 = arith.addi %mul3A_277, %add3A_415 : i32
      %add3A_417 = arith.constant 1 : i32
      %add3A_418 = arith.addi %add3A_416, %add3A_417 : i32
      %get3A_419 = arith.constant 3 : i32
      %get3A_420 = arith.index_cast %get3A_419 : i32 to index
      %get3A_421 = arith.index_cast %add3A_418 : i32 to index
      %get3A_422 = arith.constant 0 : index
      %get3A_423 = tpu.vector_load %arg6[%get3A_420, %get3A_421, %get3A_422] {strides = array<i32>} : memref<4x200x32xf32, #tpu.memory_space<vmem>>, vector<1x1x16xf32>,
      %get3A_424 = vector.shape_cast %get3A_423 : vector<1x1x16xf32> to vector<16xf32>
      %add3A_425 = arith.addf %add3A_385, %get3A_424 : vector<16xf32>
      %add3A_426 = arith.constant 6 : i32
      %add3A_427 = arith.addi %mul3A_277, %add3A_426 : i32
      %add3A_428 = arith.constant 1 : i32
      %add3A_429 = arith.addi %add3A_427, %add3A_428 : i32
      %get3A_430 = arith.constant 3 : i32
      %get3A_431 = arith.index_cast %get3A_430 : i32 to index
      %get3A_432 = arith.index_cast %add3A_429 : i32 to index
      %get3A_433 = arith.constant 16 : index
      %get3A_434 = tpu.vector_load %arg6[%get3A_431, %get3A_432, %get3A_433] {strides = array<i32>} : memref<4x200x32xf32, #tpu.memory_space<vmem>>, vector<1x1x16xf32>,
      %get3A_435 = vector.shape_cast %get3A_434 : vector<1x1x16xf32> to vector<16xf32>
      %add3A_436 = arith.addf %add3A_396, %get3A_435 : vector<16xf32>
      scf.yield %add3A_405, %add3A_425, %add3A_414, %add3A_436 : vector<16xf32>, vector<16xf32>, vector<16xf32>, vector<16xf32>
    }
    %scan3A_248 = arith.constant 25 : i32
    %add3A_249 = arith.addf %scan3A_247#0, %scan3A_247#1 : vector<16xf32>
    %mul3A_250 = arith.constant 5.000000e-03 : f32
    %mul3A_251 = vector.broadcast %mul3A_250 : f32 to vector<16xf32>
    %mul3A_252 = arith.mulf %add3A_249, %mul3A_251 : vector<16xf32>
    %swap3A_253 = arith.constant 127 : i32
    %swap3A_254 = arith.index_cast %swap3A_253 : i32 to index
    %swap3A_255 = arith.constant 0 : index
    %swap3A_256 = tpu.vector_load %arg7[%swap3A_254, %swap3A_255] {strides = array<i32>} : memref<128x32xf32, #tpu.memory_space<vmem>>, vector<1x16xf32>,
    %swap3A_257 = vector.shape_cast %swap3A_256 : vector<1x16xf32> to vector<16xf32>
    %swap3A_258 = vector.shape_cast %mul3A_252 : vector<16xf32> to vector<1x16xf32>
    tpu.vector_store %arg7[%swap3A_254, %swap3A_255], %swap3A_258 {strides = array<i32>} : memref<128x32xf32, #tpu.memory_space<vmem>>, vector<1x16xf32>,
    %add3A_259 = arith.addf %scan3A_247#2, %scan3A_247#3 : vector<16xf32>
    %mul3A_260 = arith.constant 5.000000e-03 : f32
    %mul3A_261 = vector.broadcast %mul3A_260 : f32 to vector<16xf32>
    %mul3A_262 = arith.mulf %add3A_259, %mul3A_261 : vector<16xf32>
    %swap3A_263 = arith.constant 127 : i32
    %swap3A_264 = arith.index_cast %swap3A_263 : i32 to index
    %swap3A_265 = arith.constant 16 : index
    %swap3A_266 = tpu.vector_load %arg7[%swap3A_264, %swap3A_265] {strides = array<i32>} : memref<128x32xf32, #tpu.memory_space<vmem>>, vector<1x16xf32>,
    %swap3A_267 = vector.shape_cast %swap3A_266 : vector<1x16xf32> to vector<16xf32>
    %swap3A_268 = vector.shape_cast %mul3A_262 : vector<16xf32> to vector<1x16xf32>
    tpu.vector_store %arg7[%swap3A_264, %swap3A_265], %swap3A_268 {strides = array<i32>} : memref<128x32xf32, #tpu.memory_space<vmem>>, vector<1x16xf32>,
    %mul3A_269 = arith.constant 128 : i32
    %mul3A_270 = arith.muli %add3A, %mul3A_269 : i32
    "tpu.region"() ({
      %run_scoped3A = tpu.sem_alloc : memref<!tpu.dma_semaphore, #tpu.memory_space<semaphore_mem>>
      %dma_start3A_271 = arith.constant 0 : i32
      %dma_start3A_272 = tpu.memref_slice %arg4[%mul3A_270, %dma_start3A_271] : memref<4096x32xf32, #tpu.memory_space<hbm>> -> memref<128x32xf32, #tpu.memory_space<hbm>>
      %dma_start3A_273 = arith.constant 0 : i32
      %dma_start3A_274 = tpu.memref_slice %arg4[%mul3A_270, %dma_start3A_273] : memref<4096x32xf32, #tpu.memory_space<hbm>> -> memref<128x32xf32, #tpu.memory_space<hbm>>
      tpu.enqueue_dma source(%arg7 : memref<128x32xf32, #tpu.memory_space<vmem>>) target(%dma_start3A_274 : memref<128x32xf32, #tpu.memory_space<hbm>>) target_semaphore(%run_scoped3A : memref<!tpu.dma_semaphore, #tpu.memory_space<semaphore_mem>>)
      %dma_wait3A_275 = arith.constant 0 : i32
      %dma_wait3A_276 = tpu.memref_slice %arg4[%mul3A_270, %dma_wait3A_275] : memref<4096x32xf32, #tpu.memory_space<hbm>> -> memref<128x32xf32, #tpu.memory_space<hbm>>
      %dma_wait3A_277 = arith.constant 0 : i32
      %dma_wait3A_278 = tpu.memref_slice %arg4[%mul3A_270, %dma_wait3A_277] : memref<4096x32xf32, #tpu.memory_space<hbm>> -> memref<128x32xf32, #tpu.memory_space<hbm>>
      tpu.wait_dma2 semaphore(%run_scoped3A : memref<!tpu.dma_semaphore, #tpu.memory_space<semaphore_mem>>) src(%arg7 : memref<128x32xf32, #tpu.memory_space<vmem>>) dst(%dma_wait3A_278 : memref<128x32xf32, #tpu.memory_space<hbm>>)
      tpu.yield
    }) : () -> ()
    return
  }
}

module attributes {stable_mosaic.version = 14 : i64} {
  func.func @_tbody(%arg0: i32, %arg1: memref<32x8192xf32, #tpu.memory_space<vmem>>, %arg2: memref<2048x128xf32, #tpu.memory_space<vmem>>) attributes {dimension_semantics = [#tpu.dimension_semantics<arbitrary>], iteration_bounds = array<i64: 123>, scalar_prefetch = 0 : i64, scratch_operands = 0 : i64, tpu.core_type = #tpu.core_type<tc>, window_params = [{transform_indices = @transform_0, window_bounds = array<i64: 32, 8192>}, {transform_indices = @transform_1, window_bounds = array<i64: 2048, 128>}]} {
    %get3A = arith.constant 0 : index
    %get3A_0 = arith.constant 0 : index
    %get3A_1 = vector.load %arg1[%get3A, %get3A_0] : memref<32x8192xf32, #tpu.memory_space<vmem>>, vector<32x2048xf32>
    %transpose3A = tpu.transpose %get3A_1, [1, 0] : vector<32x2048xf32> -> vector<2048x32xf32>
    %swap3A = arith.constant 0 : index
    %swap3A_2 = arith.constant 0 : index
    %swap3A_3 = vector.load %arg2[%swap3A, %swap3A_2] : memref<2048x128xf32, #tpu.memory_space<vmem>>, vector<2048x32xf32>
    tpu.vector_store %arg2[%swap3A, %swap3A_2], %transpose3A {strides = array<i32>} : memref<2048x128xf32, #tpu.memory_space<vmem>>, vector<2048x32xf32>,
    %get3A_4 = arith.constant 0 : index
    %get3A_5 = arith.constant 2048 : index
    %get3A_6 = vector.load %arg1[%get3A_4, %get3A_5] : memref<32x8192xf32, #tpu.memory_space<vmem>>, vector<32x2048xf32>
    %transpose3A_7 = tpu.transpose %get3A_6, [1, 0] : vector<32x2048xf32> -> vector<2048x32xf32>
    %swap3A_8 = arith.constant 0 : index
    %swap3A_9 = arith.constant 32 : index
    %swap3A_10 = vector.load %arg2[%swap3A_8, %swap3A_9] : memref<2048x128xf32, #tpu.memory_space<vmem>>, vector<2048x32xf32>
    tpu.vector_store %arg2[%swap3A_8, %swap3A_9], %transpose3A_7 {strides = array<i32>} : memref<2048x128xf32, #tpu.memory_space<vmem>>, vector<2048x32xf32>,
    %get3A_11 = arith.constant 0 : index
    %get3A_12 = arith.constant 4096 : index
    %get3A_13 = vector.load %arg1[%get3A_11, %get3A_12] : memref<32x8192xf32, #tpu.memory_space<vmem>>, vector<32x2048xf32>
    %transpose3A_14 = tpu.transpose %get3A_13, [1, 0] : vector<32x2048xf32> -> vector<2048x32xf32>
    %swap3A_15 = arith.constant 0 : index
    %swap3A_16 = arith.constant 64 : index
    %swap3A_17 = vector.load %arg2[%swap3A_15, %swap3A_16] : memref<2048x128xf32, #tpu.memory_space<vmem>>, vector<2048x32xf32>
    tpu.vector_store %arg2[%swap3A_15, %swap3A_16], %transpose3A_14 {strides = array<i32>} : memref<2048x128xf32, #tpu.memory_space<vmem>>, vector<2048x32xf32>,
    %get3A_18 = arith.constant 0 : index
    %get3A_19 = arith.constant 6144 : index
    %get3A_20 = vector.load %arg1[%get3A_18, %get3A_19] : memref<32x8192xf32, #tpu.memory_space<vmem>>, vector<32x2048xf32>
    %transpose3A_21 = tpu.transpose %get3A_20, [1, 0] : vector<32x2048xf32> -> vector<2048x32xf32>
    %swap3A_22 = arith.constant 0 : index
    %swap3A_23 = arith.constant 96 : index
    %swap3A_24 = vector.load %arg2[%swap3A_22, %swap3A_23] : memref<2048x128xf32, #tpu.memory_space<vmem>>, vector<2048x32xf32>
    tpu.vector_store %arg2[%swap3A_22, %swap3A_23], %transpose3A_21 {strides = array<i32>} : memref<2048x128xf32, #tpu.memory_space<vmem>>, vector<2048x32xf32>,
    return
  }
  func.func @transform_0(%arg0: i32) -> (i32, i32) {
    %c0_i32 = arith.constant 0 : i32
    %c0_i32_0 = arith.constant 0 : i32
    return %c0_i32, %arg0 : i32, i32
  }
  func.func @transform_1(%arg0: i32) -> (i32, i32) {
    %c0_i32 = arith.constant 0 : i32
    %c0_i32_0 = arith.constant 0 : i32
    return %arg0, %c0_i32 : i32, i32
  }
}

</mosaic_0001>

<sc_bundles>
// kernel: kernel.4.cloned.1.call-start
scs
__scs_entry_jumppad:
0x0: {  	(pc) =	sbr.rel $0x88, $3  }
0x1: {  	(tag) =	ssettag $0x0;
	lr =	simm.s32 $0x1  }
0x2: {  	[smem:$0x3F9F] =	sst lr;
	_ =	strace $0xD0000000  }
0x3: {  	_ = 	snop  }
0x4: {  	_ = 	snop  }
0x5: {  	_ = 	snop  }
0x6: {  	_ = 	snop  }
0x7: {  	_ = 	snop  }
__scs_overlays_trampoline_lowered:
0x8: {  	[smem:$0x3FAE] =	sst s0  }
0x9: {  	[smem:$0x3FAF] =	sst s1  }
0xa: {  	[smem:$0x3FB0] =	sst s2  }
0xb: {  	[smem:$0x3FB1] =	sst s3  }
0xc: {  	[smem:$0x3FB2] =	sst s4  }
0xd: {  	[smem:$0x3FB3] =	sst s5  }
0xe: {  	[smem:$0x3FB4] =	sst s6  }
0xf: {  	[smem:$0x3FB5] =	sst s7  }
0x10: {  	[smem:$0x3FB6] =	sst s8  }
0x11: {  	[smem:$0x3FB7] =	sst s9;
	s0 =	simm.s32 @!p0 $0x0  }
0x12: {  	s1 =	sld [smem:$0x3F9D];
	s0 =	simm.s32 @p0 $0x1  }
0x13: {  	[smem:$0x3FB8] =	sst s0;
	s0 =	simm.s32 @!p1 $0x0  }
0x14: {  	s2 =	sld [smem:$0x3F9C];
	s0 =	simm.s32 @p1 $0x1  }
0x15: {  	[smem:$0x3FB9] =	sst s0;
	s0 =	simm.s32 @!p2 $0x0  }
0x16: {  	s3 =	sld [smem:$0x3FDB];
	s0 =	simm.s32 @p2 $0x1  }
0x17: {  	s4 =	simm.s32 $0x1BF5;
	[smem:$0x3FBB] =	sst s0  }
0x18: {  	s0 =	sld [smem:$0x3F9E];
	_ =	swait.ge [sflag:s4], $0x0  }
0x19: {  	s7 =	sld [smem:$0x3F9F]  }
0x1a: {  	s8 =	sadd.s32 $0xFFFFE003, lr  }
0x1b: {  	s9 =	sadd.s32 $0xFFFFFEF7, lr;
	s5 =	simm.s32 $0xFFFFFFFF;
	p2 =	slt.u32 s8, $0xFFFFF086  }
0x1c: {  	p1 =	slt.u32 s9, $0xF7A;
	s5 =	simm.s32 @!p2 $0x0  }
0x1d: {  	s5 =	simm.s32 @p1 $0x1;
	p0 =	seq.s32 s7, s2  }
0x1e: {  	s7 =	smul.u32 @!p0 $0xF7A, s2;
	p2 =	seq.s32 @!p0 s5, $0x0  }
0x1f: {  	s9 =	smul.u32 $0xF7A, s1;
	s8 =	simm.s32 @!p0 $0x1BF5;
	p2 =	por !p2, p0  }
0x20: {  	[sflag:s8] =	ssyncset.s32 @!p0 $0xFFFFF086;
	s6 =	sadd.s32 @!p0 s3, s7;
	s7 =	simm.s32 @!p0 $0x108  }
0x21: {  	s3 =	sadd.s32 s3, s9;
	s6 =	sadd.s32 @!p0 $0x88, s6;
	s7 =	simm.s32 @p2 $0x1082  }
0x22: {  	[simem:s7], [sflag:s8] =	dma.local @!p0 [hbm:s6], $0xF7A  }
0x23: {  	s9 =	sor.u32 $0xD0000000, s2;
	s6 =	simm.s32 $0x108;
	_ =	swait.ge @!p0 [sflag:s8], $0x0  }
0x24: {  	s3 =	sadd.s32 $0x88, s3;
	s6 =	simm.s32 @!p1 $0x1082;
	[sflag:s4] =	ssyncset.s32 $0xFFFFF086  }
0x25: {  	[simem:s6], [sflag:s4] =	dma.local [hbm:s3], $0xF7A  }
0x26: {  	[smem:$0x3F9F] =	sst s1;
	(tag) =	ssettag s2;
	_ =	strace s9  }
0x27: {  	s1 =	sld [smem:$0x3FAF]  }
0x28: {  	s2 =	sld [smem:$0x3FB0]  }
0x29: {  	s4 =	sld [smem:$0x3FB2]  }
0x2a: {  	p0 =	seq.s32 s5, $0x0;
	s5 =	sld [smem:$0x3FB3]  }
0x2b: {  	s6 =	sld [smem:$0x3FB4]  }
0x2c: {  	s7 =	sld [smem:$0x3FB5]  }
0x2d: {  	s3 =	simm.s32 $0x108;
	s8 =	sld [smem:$0x3FB6]  }
0x2e: {  	s3 =	simm.s32 @!p0 $0x1082;
	s9 =	sld [smem:$0x3FB7]  }
0x2f: {  	lr =	sadd.s32 s0, s3;
	s0 =	sld [smem:$0x3FAE]  }
0x30: {  	s3 =	sld [smem:$0x3FB1]  }
0x31: {  	[smem:$0x3FBA] =	sst s10  }
0x32: {  	s10 =	sld [smem:$0x3FB8];
	_ =	sdelay $0x3  }
0x33: {  	p0 =	seq.s32 s10, $0x1;
	s10 =	sld [smem:$0x3FBA];
	_ =	sdelay $0x3  }
0x34: {  	[smem:$0x3FBA] =	sst s10  }
0x35: {  	s10 =	sld [smem:$0x3FB9];
	_ =	sdelay $0x3  }
0x36: {  	p1 =	seq.s32 s10, $0x1;
	s10 =	sld [smem:$0x3FBA];
	_ =	sdelay $0x3  }
0x37: {  	[smem:$0x3FBA] =	sst s10  }
0x38: {  	s10 =	sld [smem:$0x3FBB]  }
0x39: {  	_ = 	snop;
	(pc) =	sbr.ind lr, $3  }
0x3a: {  	_ = 	snop  }
0x3b: {  	_ = 	snop  }
0x3c: {  	p2 =	seq.s32 s10, $0x1;
	s10 =	sld [smem:$0x3FBA]  }
0x3d: {  	_ =	shalt  }
0x3e: {  	_ =	shalt  }
0x3f: {  	_ =	shalt  }
0x40: {  	_ =	shalt  }
0x41: {  	_ =	shalt  }
0x42: {  	_ =	shalt  }
0x43: {  	_ =	shalt  }
0x44: {  	_ =	shalt  }
0x45: {  	_ =	shalt  }
0x46: {  	_ =	shalt  }
0x47: {  	_ =	shalt  }
0x48: {  	_ =	shalt  }
0x49: {  	_ =	shalt  }
0x4a: {  	_ =	shalt  }
0x4b: {  	_ =	shalt  }
0x4c: {  	_ =	shalt  }
0x4d: {  	_ =	shalt  }
0x4e: {  	_ =	shalt  }
0x4f: {  	_ =	shalt  }
0x50: {  	_ =	shalt  }
0x51: {  	_ =	shalt  }
0x52: {  	_ =	shalt  }
0x53: {  	_ =	shalt  }
0x54: {  	_ =	shalt  }
0x55: {  	_ =	shalt  }
0x56: {  	_ =	shalt  }
0x57: {  	_ =	shalt  }
0x58: {  	_ =	shalt  }
0x59: {  	_ =	shalt  }
0x5a: {  	_ =	shalt  }
0x5b: {  	_ =	shalt  }
0x5c: {  	_ =	shalt  }
0x5d: {  	_ =	shalt  }
0x5e: {  	_ =	shalt  }
0x5f: {  	_ =	shalt  }
0x60: {  	_ =	shalt  }
0x61: {  	_ =	shalt  }
0x62: {  	_ =	shalt  }
0x63: {  	_ =	shalt  }
0x64: {  	_ =	shalt  }
0x65: {  	_ =	shalt  }
0x66: {  	_ =	shalt  }
0x67: {  	_ =	shalt  }
0x68: {  	_ =	shalt  }
0x69: {  	_ =	shalt  }
0x6a: {  	_ =	shalt  }
0x6b: {  	_ =	shalt  }
0x6c: {  	_ =	shalt  }
0x6d: {  	_ =	shalt  }
0x6e: {  	_ =	shalt  }
0x6f: {  	_ =	shalt  }
0x70: {  	_ =	shalt  }
0x71: {  	_ =	shalt  }
0x72: {  	_ =	shalt  }
0x73: {  	_ =	shalt  }
0x74: {  	_ =	shalt  }
0x75: {  	_ =	shalt  }
0x76: {  	_ =	shalt  }
0x77: {  	_ =	shalt  }
0x78: {  	_ =	shalt  }
0x79: {  	_ =	shalt  }
0x7a: {  	_ =	shalt  }
0x7b: {  	_ =	shalt  }
0x7c: {  	_ =	shalt  }
0x7d: {  	_ =	shalt  }
0x7e: {  	_ =	shalt  }
0x7f: {  	_ =	shalt  }
0x80: {  	_ =	shalt  }
0x81: {  	_ =	shalt  }
0x82: {  	_ =	shalt  }
0x83: {  	_ =	shalt  }
0x84: {  	_ =	shalt  }
0x85: {  	_ =	shalt  }
0x86: {  	_ =	shalt  }
0x87: {  	_ =	shalt  }
.Lfunc_end0:
.L_simem_size_0:
called_computation_lowered:
.L_overlay_start_0:
0x88: {  	s2 =	sld [smem:$0x3FD9]  }
0x89: {  	s3 =	sld [smem:$0x3FFE];
	_ =	sdelay $0x1  }
0x8a: {  	s1 =	srdreg.scid  }
0x8b: {  	s0 =	sand.u32 $0x1, s1  }
0x8c: {  	s17 =	sshll.u32 s0, $0xA;
	s2 =	sadd.s32 s3, s2  }
0x8d: {  	s2 =	sadd.s32 s2, s17  }
0x8e: {  	[smem:$0x3FC6] =	sst s2  }
0x8f: {  	_ = 	snop  }
0x90: {  	s2 =	sld [smem:$0x3FD0];
	(tm) =	ssettm $0x1  }
0x91: {  	s18 =	sld [smem:$0x3FFB];
	_ =	sdelay $0x3  }
0x92: {  	_ =	strace s18  }
0x93: {  	s3 =	sld [smem:$0x3FFC];
	_ =	sdelay $0x3  }
0x94: {  	_ =	strace s3  }
0x95: {  	s3 =	sld [smem:$0x3FFD];
	_ =	sdelay $0x3  }
0x96: {  	_ =	strace s3  }
0x97: {  	_ =	strace $0x8FFFFFFF  }
0x98: {  	s19 =	sld [smem:$0x3FDB];
	_ =	sdelay $0x1  }
0x99: {  	s4 =	simm.s32 $_scs_section_size  }
0x9a: {  	s5 =	simm.s32 $_size__tile_overlayer_lowered;
	s6 =	simm.s32 $_tile_overlayer_lowered  }
0x9b: {  	s22 =	simm.s32 $0x1BFF;
	s21 =	sshll.u32 s6, $0x1;
	s3 =	sadd.s32 s4, s19  }
0x9c: {  	s7 =	simm.s32 $0x0;
	s20 =	sshll.u32 s5, $0x1;
	s5 =	sadd.s32 s21, s3  }
0x9d: {  	[timem:s7], [sflag:s22] =	dma.local [hbm:s5], s20  }
0x9e: {  	_ =	swait.ge [sflag:s22], s20  }
0x9f: {  	s4 =	ssub.s32 $0x0, s20;
	[sflag:s22] =	ssyncset.done $0x0  }
0xa0: {  	[sflag:s22] =	ssyncadd.s32 s4;
	_ =	sdelay $0x1  }
0xa1: {  	s23 =	simm.s32 $0x1B8B  }
0xa2: {  	_ =	swait.ge [sflag:s23], $0x1  }
0xa3: {  	[sflag:s23] =	ssyncset.done $0x0  }
0xa4: {  	s25 =	simm.s32 $0x1B8E;
	s24 =	sld [smem:$0x3FFE];
	[sflag:s23] =	ssyncadd.s32 $0xFFFFFFFF  }
0xa5: {  	s26 =	simm.s32 $execute0_lowered;
	[smem:$0x3FD2] =	sst s25  }
0xa6: {  	s5 =	sshll.u32 s26, $0x1;
	_ =	strace $0x80000046;
	[dreg:$0x1] =	wrdreg $0xFFFFFFFF  }
0xa7: {  	s28 =	simm.s32 $_size_execute0_lowered;
	s3 =	sadd.s32 s3, s5;
	[dreg:$0x0] =	wrdreg $0x0  }
0xa8: {  	s5 =	sshll.u32 s28, $0x1;
	[dreg:$0x2] =	wrdreg s3  }
0xa9: {  	[dreg:$0x3] =	wrdreg s5  }
0xaa: {  	[dreg:$0x4] =	wrdreg $0xC0  }
0xab: {  	_ =	task [dreg:s7], $0x5FFFF  }
0xac: {  	[dreg:$0x1] =	wrdreg $0xFFFFFFFF  }
0xad: {  	[dreg:$0x0] =	wrdreg $0x60  }
0xae: {  	[dreg:$0x2] =	wrdreg s24  }
0xaf: {  	[dreg:$0x3] =	wrdreg s2  }
0xb0: {  	[dreg:$0x4] =	wrdreg $0x9  }
0xb1: {  	_ =	task.clear_ibuf [dreg:s7], $0x5FFFF;
	_ =	strace $0x90000046  }
0xb2: {  	s29 =	simm.s32 $0x9;
	_ =	strace $0x80000048  }
0xb3: {  	_ =	swait.ge [sflag:s29], $0x1  }
0xb4: {  	[sflag:s29] =	ssyncadd.s32 $0xFFFFFFFF  }
0xb5: {  	_ =	strace $0x90000048  }
0xb6: {  	_ =	sfence  }
0xb7: {  	s30 =	sld [smem:$0x0];
	_ =	sdelay $0x2  }
0xb8: {  	s31 =	sshll.u32 s1, $0xD;
	s1 =	sshrl.u32 s1, $0x2  }
0xb9: {  	s3 =	sand.u32 $0x4000, s31;
	s1 =	sadd.s32 s1, s30  }
0xba: {  	s0 =	sor.u32 s3, s0;
	s1 =	sshll.u32 s1, $0x11  }
0xbb: {  	s0 =	sor.u32 s1, s0  }
0xbc: {  	s0 =	sadd.s32 $0x8F2B, s0  }
0xbd: {  	[sflag:s0] =	ssyncadd.remote.s32 $0x1  }
0xbe: {  	_ =	sfence.sel $0xFFFF  }
0xbf: {  	[dreg:$0x0] =	wrdreg $0xFFFFFFFF;
	(pc) =	sbr.abs _section_cstart, $3  }
0xc0: {  	[dreg:$0x1] =	wrdreg $0xFFFFFFFF  }
0xc1: {  	_ =	task.clear_ibuf [dreg:s7], $0x2FFFF;
	_ =	strace $0x9FFFFFFF  }
0xc2: {  	(tm) =	ssettm $0x7FFFFFFF  }
0xc3: {  	_ =	shalt  }
tec
execute0_lowered:
.L_overlay_start_1:
0x0: {  	(tag) =	ssettag $0x1  }
0x1: {  	s0 =	srdreg.scid;
	s1 =	rddreg [dreg:$0x0]  }
0x2: {  	s3 =	stileid.u32;
	s5 =	rddreg [dreg:$0x1];
	s8 =	simm.s32 $0x68  }
0x3: {  	s9 =	simm.s32 $0x6400;
	s10 =	simm.s32 $0x60;
	s11 =	simm.s32 $0x7100  }
0x4: {  	s13 =	simm.s32 $0x7D00;
	s15 =	simm.s32 $0x8A00;
	s16 =	simm.s32 $0x190  }
0x5: {  	s17 =	simm.s32 $0x9600;
	s18 =	simm.s32 $0x1F8;
	s19 =	simm.s32 $0xA300  }
0x6: {  	s20 =	simm.s32 $0x258;
	s21 =	simm.s32 $0xAF00;
	s22 =	simm.s32 $0x2C0  }
0x7: {  	s23 =	simm.s32 $0xBC00;
	s24 =	simm.s32 $0x1;
	s25 =	simm.s32 $0x2  }
0x8: {  	s26 =	simm.s32 $0x3;
	s28 =	simm.s32 $0x4;
	s0 =	sand.u32 $0x1, s0  }
0x9: {  	s29 =	simm.s32 $0xC800;
	s30 =	simm.s32 $0x0;
	s2 =	sshll.u32 s0, $0x4  }
0xa: {  	s0 =	ssub.s32 $0x2, s0;
	s4 =	sor.u32 s3, s2;
	s2 =	simm.s32 $0x0  }
0xb: {  	s31 =	sshrl.u32 s0, $0x1;
	s3 =	smul.u32 $0xC80, s4;
	[smem:$0x7FF] =	sst s2  }
0xc: {  	s7 =	sshll.u32 s4, $0x9;
	s0 =	ssub.s32 s0, s31;
	_ =	strace $0x80000047  }
0xd: {  	s5 =	sadd.s32 s5, s7;
	s7 =	simm.s32 $0x5;
	s6 =	sadd.s32 s3, s1  }
0xe: {  	s3 =	sadd.s32 $0x19400, s1;
	s4 =	sadd.s32 $0x400, s6;
	s6 =	smax.u32 s0, $0x1  }
.LBB2_1:
0xf: {  	[tilespmem:s2], [sflag:$0x5] =	stream.linear.gather [hbm4b:s4+s2], $0x6400, $0x38;
	[tilespmem:$0xD800] =	vst v63  }
0x10: {  	_ =	swait.ge [sflag:s7], $0x6400  }
0x11: {  	[sflag:s7] =	ssyncset.done $0x0  }
0x12: {  	[sflag:s7] =	ssyncadd.s32 $0xFFFF9C00  }
0x13: {  	[tilespmem:s9], [sflag:$0x1] =	stream.indirect.gather [hbm4b:s3+s8], $0x20, s2, s8, $0xb8;
	[tilespmem:$0xD800] =	vst v63  }
0x14: {  	_ = 	snop  }
0x15: {  	[tilespmem:s11], [sflag:$0x1] =	stream.indirect.gather [hbm4b:s3+s10], $0x20, s8, s10, $0xb8;
	[tilespmem:$0xD800] =	vst v63  }
0x16: {  	s0 =	simm.s32 $0xC8  }
0x17: {  	[tilespmem:s13], [sflag:$0x2] =	stream.indirect.gather [hbm4b:s3+s8], $0x20, s0, s8, $0xb8;
	[tilespmem:$0xD800] =	vst v63  }
0x18: {  	s14 =	simm.s32 $0x130  }
0x19: {  	[tilespmem:s15], [sflag:$0x2] =	stream.indirect.gather [hbm4b:s3+s10], $0x20, s14, s10, $0xb8;
	[tilespmem:$0xD800] =	vst v63  }
0x1a: {  	_ = 	snop  }
0x1b: {  	[tilespmem:s17], [sflag:$0x3] =	stream.indirect.gather [hbm4b:s3+s8], $0x20, s16, s8, $0xb8;
	[tilespmem:$0xD800] =	vst v63  }
0x1c: {  	_ = 	snop  }
0x1d: {  	[tilespmem:s19], [sflag:$0x3] =	stream.indirect.gather [hbm4b:s3+s10], $0x20, s18, s10, $0xb8;
	[tilespmem:$0xD800] =	vst v63  }
0x1e: {  	_ = 	snop  }
0x1f: {  	[tilespmem:s21], [sflag:$0x4] =	stream.indirect.gather [hbm4b:s3+s8], $0x20, s20, s8, $0xb8;
	[tilespmem:$0xD800] =	vst v63  }
0x20: {  	s31 =	simm.s32 $0x0  }
0x21: {  	[tilespmem:s23], [sflag:$0x4] =	stream.indirect.gather [hbm4b:s3+s10], $0x20, s22, s10, $0xb8;
	[tilespmem:$0xD800] =	vst v63  }
.LBB2_2:
0x22: {  	_ =	swait.ge [sflag:s24], $0xD00  }
0x23: {  	[sflag:s24] =	ssyncset.done $0x0  }
0x24: {  	[sflag:s24] =	ssyncadd.s32 $0xFFFFF300  }
0x25: {  	_ =	swait.ge [sflag:s24], $0xC00  }
0x26: {  	[sflag:s24] =	ssyncset.done $0x0  }
0x27: {  	s0 =	simm.s32 $0x0;
	[sflag:s24] =	ssyncadd.s32 $0xFFFFF400  }
0x28: {  	v0 =	vld [tilespmem:s0+$0x64C0]  }
0x29: {  	v1 =	vld [tilespmem:s0+$0x64D0]  }
0x2a: {  	v2 =	vld [tilespmem:s0+$0x6480]  }
0x2b: {  	v3 =	vld [tilespmem:s0+$0x6490]  }
0x2c: {  	v4 =	vld [tilespmem:s0+$0x6440]  }
0x2d: {  	v5 =	vld [tilespmem:s0+$0x6450]  }
0x2e: {  	v10 =	vld [tilespmem:s0+$0x6400]  }
0x2f: {  	v6 =	vimm.f32 $0.0e+00;
	v11 =	vld [tilespmem:s0+$0x6410]  }
0x30: {  	s1 =	simm.s32 $0x400;
	v7 =	vimm.f32 $0.0e+00;
	v9 =	vimm.f32 $0.0e+00;
	v8 =	vimm.f32 $0.0e+00;
	v12 =	vld [tilespmem:s0+$0x6420]  }
.LBB2_3:
0x31: {  	p0 =	sne.s32 s1, $0x6000;
	v13 =	vld [tilespmem:s0+$0x6430]  }
0x32: {  	v14 =	vld [tilespmem:s0+$0x6460]  }
0x33: {  	v15 =	vld [tilespmem:s0+$0x6470]  }
0x34: {  	v16 =	vld [tilespmem:s0+$0x64A0]  }
0x35: {  	v6 =	vadd.f32 v10, v6;
	v7 =	vadd.f32 v11, v7;
	v10 =	vld [tilespmem:s0+$0x64B0]  }
0x36: {  	v9 =	vadd.f32 v12, v9;
	v8 =	vadd.f32 v13, v8;
	v11 =	vld [tilespmem:s0+$0x64E0]  }
0x37: {  	v4 =	vadd.f32 v4, v6;
	v5 =	vadd.f32 v5, v7;
	v12 =	vld [tilespmem:s0+$0x64F0];
	s0 =	sshra.s32 s1, $0x2  }
0x38: {  	v6 =	vadd.f32 v14, v9;
	v13 =	vld [tilespmem:s0+$0x64C0];
	v7 =	vadd.f32 v15, v8  }
0x39: {  	v4 =	vadd.f32 v2, v4;
	v5 =	vadd.f32 v3, v5;
	v14 =	vld [tilespmem:s0+$0x64D0]  }
0x3a: {  	v8 =	vadd.f32 v16, v6;
	v2 =	vld [tilespmem:s0+$0x6480];
	v10 =	vadd.f32 v10, v7  }
0x3b: {  	v6 =	vadd.f32 v0, v4;
	v7 =	vadd.f32 v1, v5;
	v3 =	vld [tilespmem:s0+$0x6490]  }
.Ltmp0:
0x3c: {  	v9 =	vadd.f32 v11, v8;
	v4 =	vld [tilespmem:s0+$0x6440];
	v8 =	vadd.f32 v12, v10;
	(pc) =	sbr.rel @p0 .LBB2_3-.Ltmp0, $4  }
0x3d: {  	v5 =	vld [tilespmem:s0+$0x6450];
	v0 =	vmov v13  }
0x3e: {  	v10 =	vld [tilespmem:s0+$0x6400];
	v1 =	vmov v14  }
0x3f: {  	v11 =	vld [tilespmem:s0+$0x6410]  }
0x40: {  	s1 =	sadd.s32 $0x400, s1;
	v12 =	vld [tilespmem:s0+$0x6420]  }
0x41: {  	v13 =	vld [tilespmem:s0+$0x6430]  }
0x42: {  	v14 =	vld [tilespmem:s0+$0x6460]  }
0x43: {  	v15 =	vld [tilespmem:s0+$0x6470]  }
0x44: {  	v16 =	vld [tilespmem:s0+$0x64A0]  }
0x45: {  	v6 =	vadd.f32 v10, v6;
	v10 =	vld [tilespmem:s0+$0x64B0];
	v9 =	vadd.f32 v12, v9  }
0x46: {  	v7 =	vadd.f32 v11, v7;
	v11 =	vld [tilespmem:s0+$0x64E0];
	v8 =	vadd.f32 v13, v8  }
0x47: {  	v4 =	vadd.f32 v4, v6;
	v6 =	vld [tilespmem:s0+$0x64F0];
	v9 =	vadd.f32 v14, v9  }
0x48: {  	v5 =	vadd.f32 v5, v7;
	v7 =	vadd.f32 v15, v8  }
0x49: {  	v2 =	vadd.f32 v2, v4;
	v4 =	vadd.f32 v16, v9  }
0x4a: {  	v3 =	vadd.f32 v3, v5;
	v5 =	vadd.f32 v10, v7  }
0x4b: {  	v0 =	vadd.f32 v0, v2;
	v2 =	vadd.f32 v11, v4  }
0x4c: {  	v1 =	vadd.f32 v1, v3;
	v3 =	vadd.f32 v6, v5  }
0x4d: {  	v0 =	vadd.f32 v2, v0  }
0x4e: {  	v1 =	vadd.f32 v3, v1  }
0x4f: {  	s1 =	sshll.u32 s31, $0x7;
	s12 =	smul.u32 $0xC80, s31;
	v0 =	vmul.f32 $4.999999890e-03, v0  }
0x50: {  	s1 =	sand.u32 $0x3FFFFF80, s1;
	v1 =	vmul.f32 $4.999999890e-03, v1  }
0x51: {  	s0 =	sshra.s32 s12, $0x2;
	[tilespmem:s1+$0xC800] =	vst v0  }
0x52: {  	s12 =	sadd.s32 $0x320, s0;
	[tilespmem:s1+$0xC810] =	vst v1  }
0x53: {  	[tilespmem:s9], [sflag:$0x1] =	stream.indirect.gather [hbm4b:s3+s8], $0x20, s12, s8, $0xb8;
	[tilespmem:$0xD800] =	vst v63  }
0x54: {  	s14 =	sadd.s32 $0x388, s0  }
0x55: {  	[tilespmem:s11], [sflag:$0x1] =	stream.indirect.gather [hbm4b:s3+s10], $0x20, s14, s10, $0xb8;
	[tilespmem:$0xD800] =	vst v63  }
0x56: {  	_ =	swait.ge [sflag:s25], $0xD00  }
0x57: {  	[sflag:s25] =	ssyncset.done $0x0  }
0x58: {  	[sflag:s25] =	ssyncadd.s32 $0xFFFFF300  }
0x59: {  	_ =	swait.ge [sflag:s25], $0xC00  }
0x5a: {  	[sflag:s25] =	ssyncset.done $0x0  }
0x5b: {  	s12 =	simm.s32 $0x0;
	[sflag:s25] =	ssyncadd.s32 $0xFFFFF400  }
0x5c: {  	v0 =	vld [tilespmem:s12+$0x7DC0]  }
0x5d: {  	v1 =	vld [tilespmem:s12+$0x7DD0]  }
0x5e: {  	v2 =	vld [tilespmem:s12+$0x7D80]  }
0x5f: {  	v3 =	vld [tilespmem:s12+$0x7D90]  }
0x60: {  	v4 =	vld [tilespmem:s12+$0x7D40]  }
0x61: {  	v5 =	vld [tilespmem:s12+$0x7D50]  }
0x62: {  	v10 =	vld [tilespmem:s12+$0x7D00]  }
0x63: {  	v8 =	vimm.f32 $0.0e+00;
	v11 =	vld [tilespmem:s12+$0x7D10]  }
0x64: {  	v9 =	vimm.f32 $0.0e+00;
	v7 =	vimm.f32 $0.0e+00;
	v6 =	vimm.f32 $0.0e+00;
	s14 =	simm.s32 $0x400;
	v12 =	vld [tilespmem:s12+$0x7D20]  }
.LBB2_5:
0x65: {  	p0 =	sne.s32 s14, $0x6000;
	v13 =	vld [tilespmem:s12+$0x7D30]  }
0x66: {  	v14 =	vld [tilespmem:s12+$0x7D60]  }
0x67: {  	v15 =	vld [tilespmem:s12+$0x7D70]  }
0x68: {  	v16 =	vld [tilespmem:s12+$0x7DA0]  }
0x69: {  	v6 =	vadd.f32 v10, v6;
	v7 =	vadd.f32 v11, v7;
	v10 =	vld [tilespmem:s12+$0x7DB0]  }
0x6a: {  	v9 =	vadd.f32 v12, v9;
	v8 =	vadd.f32 v13, v8;
	v11 =	vld [tilespmem:s12+$0x7DE0]  }
0x6b: {  	v4 =	vadd.f32 v4, v6;
	v5 =	vadd.f32 v5, v7;
	v12 =	vld [tilespmem:s12+$0x7DF0];
	s12 =	sshra.s32 s14, $0x2  }
0x6c: {  	v6 =	vadd.f32 v14, v9;
	v13 =	vld [tilespmem:s12+$0x7DC0];
	v7 =	vadd.f32 v15, v8  }
0x6d: {  	v4 =	vadd.f32 v2, v4;
	v5 =	vadd.f32 v3, v5;
	v14 =	vld [tilespmem:s12+$0x7DD0]  }
0x6e: {  	v8 =	vadd.f32 v16, v6;
	v2 =	vld [tilespmem:s12+$0x7D80];
	v10 =	vadd.f32 v10, v7  }
0x6f: {  	v6 =	vadd.f32 v0, v4;
	v7 =	vadd.f32 v1, v5;
	v3 =	vld [tilespmem:s12+$0x7D90]  }
.Ltmp1:
0x70: {  	v9 =	vadd.f32 v11, v8;
	v4 =	vld [tilespmem:s12+$0x7D40];
	v8 =	vadd.f32 v12, v10;
	(pc) =	sbr.rel @p0 .LBB2_5-.Ltmp1, $4  }
0x71: {  	v5 =	vld [tilespmem:s12+$0x7D50];
	v0 =	vmov v13  }
0x72: {  	v10 =	vld [tilespmem:s12+$0x7D00];
	v1 =	vmov v14  }
0x73: {  	v11 =	vld [tilespmem:s12+$0x7D10]  }
0x74: {  	s14 =	sadd.s32 $0x400, s14;
	v12 =	vld [tilespmem:s12+$0x7D20]  }
0x75: {  	v13 =	vld [tilespmem:s12+$0x7D30]  }
0x76: {  	v14 =	vld [tilespmem:s12+$0x7D60]  }
0x77: {  	v15 =	vld [tilespmem:s12+$0x7D70]  }
0x78: {  	v16 =	vld [tilespmem:s12+$0x7DA0]  }
0x79: {  	v6 =	vadd.f32 v10, v6;
	v10 =	vld [tilespmem:s12+$0x7DB0];
	v9 =	vadd.f32 v12, v9  }
0x7a: {  	v7 =	vadd.f32 v11, v7;
	v11 =	vld [tilespmem:s12+$0x7DE0];
	v8 =	vadd.f32 v13, v8  }
0x7b: {  	v4 =	vadd.f32 v4, v6;
	v6 =	vld [tilespmem:s12+$0x7DF0];
	v9 =	vadd.f32 v14, v9  }
0x7c: {  	v5 =	vadd.f32 v5, v7;
	v7 =	vadd.f32 v15, v8  }
0x7d: {  	v2 =	vadd.f32 v2, v4;
	v4 =	vadd.f32 v16, v9  }
0x7e: {  	v3 =	vadd.f32 v3, v5;
	v5 =	vadd.f32 v10, v7  }
0x7f: {  	v0 =	vadd.f32 v0, v2;
	v2 =	vadd.f32 v11, v4  }
0x80: {  	v1 =	vadd.f32 v1, v3;
	v3 =	vadd.f32 v6, v5  }
0x81: {  	v0 =	vadd.f32 v2, v0  }
0x82: {  	v1 =	vadd.f32 v3, v1  }
0x83: {  	v0 =	vmul.f32 $4.999999890e-03, v0  }
0x84: {  	v1 =	vmul.f32 $4.999999890e-03, v1  }
0x85: {  	[tilespmem:s1+$0xC820] =	vst v0  }
0x86: {  	s14 =	sadd.s32 $0x3E8, s0;
	[tilespmem:s1+$0xC830] =	vst v1  }
0x87: {  	[tilespmem:s13], [sflag:$0x2] =	stream.indirect.gather [hbm4b:s3+s8], $0x20, s14, s8, $0xb8;
	[tilespmem:$0xD800] =	vst v63  }
0x88: {  	s14 =	sadd.s32 $0x450, s0  }
0x89: {  	[tilespmem:s15], [sflag:$0x2] =	stream.indirect.gather [hbm4b:s3+s10], $0x20, s14, s10, $0xb8;
	[tilespmem:$0xD800] =	vst v63  }
0x8a: {  	_ =	swait.ge [sflag:s26], $0xD00  }
0x8b: {  	[sflag:s26] =	ssyncset.done $0x0  }
0x8c: {  	[sflag:s26] =	ssyncadd.s32 $0xFFFFF300  }
0x8d: {  	_ =	swait.ge [sflag:s26], $0xC00  }
0x8e: {  	[sflag:s26] =	ssyncset.done $0x0  }
0x8f: {  	s12 =	simm.s32 $0x0;
	[sflag:s26] =	ssyncadd.s32 $0xFFFFF400  }
0x90: {  	v0 =	vld [tilespmem:s12+$0x96C0]  }
0x91: {  	v1 =	vld [tilespmem:s12+$0x96D0]  }
0x92: {  	v2 =	vld [tilespmem:s12+$0x9680]  }
0x93: {  	v3 =	vld [tilespmem:s12+$0x9690]  }
0x94: {  	v4 =	vld [tilespmem:s12+$0x9640]  }
0x95: {  	v5 =	vld [tilespmem:s12+$0x9650]  }
0x96: {  	v10 =	vld [tilespmem:s12+$0x9600]  }
0x97: {  	v8 =	vimm.f32 $0.0e+00;
	v11 =	vld [tilespmem:s12+$0x9610]  }
0x98: {  	v9 =	vimm.f32 $0.0e+00;
	v7 =	vimm.f32 $0.0e+00;
	v6 =	vimm.f32 $0.0e+00;
	s14 =	simm.s32 $0x400;
	v12 =	vld [tilespmem:s12+$0x9620]  }
.LBB2_7:
0x99: {  	p0 =	sne.s32 s14, $0x6000;
	v13 =	vld [tilespmem:s12+$0x9630]  }
0x9a: {  	v14 =	vld [tilespmem:s12+$0x9660]  }
0x9b: {  	v15 =	vld [tilespmem:s12+$0x9670]  }
0x9c: {  	v16 =	vld [tilespmem:s12+$0x96A0]  }
0x9d: {  	v6 =	vadd.f32 v10, v6;
	v7 =	vadd.f32 v11, v7;
	v10 =	vld [tilespmem:s12+$0x96B0]  }
0x9e: {  	v9 =	vadd.f32 v12, v9;
	v8 =	vadd.f32 v13, v8;
	v11 =	vld [tilespmem:s12+$0x96E0]  }
0x9f: {  	v4 =	vadd.f32 v4, v6;
	v5 =	vadd.f32 v5, v7;
	v12 =	vld [tilespmem:s12+$0x96F0];
	s12 =	sshra.s32 s14, $0x2  }
0xa0: {  	v6 =	vadd.f32 v14, v9;
	v13 =	vld [tilespmem:s12+$0x96C0];
	v7 =	vadd.f32 v15, v8  }
0xa1: {  	v4 =	vadd.f32 v2, v4;
	v5 =	vadd.f32 v3, v5;
	v14 =	vld [tilespmem:s12+$0x96D0]  }
0xa2: {  	v8 =	vadd.f32 v16, v6;
	v2 =	vld [tilespmem:s12+$0x9680];
	v10 =	vadd.f32 v10, v7  }
0xa3: {  	v6 =	vadd.f32 v0, v4;
	v7 =	vadd.f32 v1, v5;
	v3 =	vld [tilespmem:s12+$0x9690]  }
.Ltmp2:
0xa4: {  	v9 =	vadd.f32 v11, v8;
	v4 =	vld [tilespmem:s12+$0x9640];
	v8 =	vadd.f32 v12, v10;
	(pc) =	sbr.rel @p0 .LBB2_7-.Ltmp2, $4  }
0xa5: {  	v5 =	vld [tilespmem:s12+$0x9650];
	v0 =	vmov v13  }
0xa6: {  	v10 =	vld [tilespmem:s12+$0x9600];
	v1 =	vmov v14  }
0xa7: {  	v11 =	vld [tilespmem:s12+$0x9610]  }
0xa8: {  	s14 =	sadd.s32 $0x400, s14;
	v12 =	vld [tilespmem:s12+$0x9620]  }
0xa9: {  	v13 =	vld [tilespmem:s12+$0x9630]  }
0xaa: {  	v14 =	vld [tilespmem:s12+$0x9660]  }
0xab: {  	v15 =	vld [tilespmem:s12+$0x9670]  }
0xac: {  	v16 =	vld [tilespmem:s12+$0x96A0]  }
0xad: {  	v6 =	vadd.f32 v10, v6;
	v10 =	vld [tilespmem:s12+$0x96B0];
	v9 =	vadd.f32 v12, v9  }
0xae: {  	v7 =	vadd.f32 v11, v7;
	v11 =	vld [tilespmem:s12+$0x96E0];
	v8 =	vadd.f32 v13, v8  }
0xaf: {  	v4 =	vadd.f32 v4, v6;
	v6 =	vld [tilespmem:s12+$0x96F0];
	v9 =	vadd.f32 v14, v9  }
0xb0: {  	v5 =	vadd.f32 v5, v7;
	v7 =	vadd.f32 v15, v8  }
0xb1: {  	v2 =	vadd.f32 v2, v4;
	v4 =	vadd.f32 v16, v9  }
0xb2: {  	v3 =	vadd.f32 v3, v5;
	v5 =	vadd.f32 v10, v7  }
0xb3: {  	v0 =	vadd.f32 v0, v2;
	v2 =	vadd.f32 v11, v4  }
0xb4: {  	v1 =	vadd.f32 v1, v3;
	v3 =	vadd.f32 v6, v5  }
0xb5: {  	v0 =	vadd.f32 v2, v0  }
0xb6: {  	v1 =	vadd.f32 v3, v1  }
0xb7: {  	v0 =	vmul.f32 $4.999999890e-03, v0  }
0xb8: {  	v1 =	vmul.f32 $4.999999890e-03, v1  }
0xb9: {  	[tilespmem:s1+$0xC840] =	vst v0  }
0xba: {  	s14 =	sadd.s32 $0x4B0, s0;
	[tilespmem:s1+$0xC850] =	vst v1  }
0xbb: {  	[tilespmem:s17], [sflag:$0x3] =	stream.indirect.gather [hbm4b:s3+s8], $0x20, s14, s8, $0xb8;
	[tilespmem:$0xD800] =	vst v63  }
0xbc: {  	s14 =	sadd.s32 $0x518, s0  }
0xbd: {  	[tilespmem:s19], [sflag:$0x3] =	stream.indirect.gather [hbm4b:s3+s10], $0x20, s14, s10, $0xb8;
	[tilespmem:$0xD800] =	vst v63  }
0xbe: {  	_ =	swait.ge [sflag:s28], $0xD00  }
0xbf: {  	[sflag:s28] =	ssyncset.done $0x0  }
0xc0: {  	[sflag:s28] =	ssyncadd.s32 $0xFFFFF300  }
0xc1: {  	_ =	swait.ge [sflag:s28], $0xC00  }
0xc2: {  	[sflag:s28] =	ssyncset.done $0x0  }
0xc3: {  	s12 =	simm.s32 $0x0;
	[sflag:s28] =	ssyncadd.s32 $0xFFFFF400  }
0xc4: {  	v0 =	vld [tilespmem:s12+$0xAFC0]  }
0xc5: {  	v1 =	vld [tilespmem:s12+$0xAFD0]  }
0xc6: {  	v2 =	vld [tilespmem:s12+$0xAF80]  }
0xc7: {  	v3 =	vld [tilespmem:s12+$0xAF90]  }
0xc8: {  	v4 =	vld [tilespmem:s12+$0xAF40]  }
0xc9: {  	v5 =	vld [tilespmem:s12+$0xAF50]  }
0xca: {  	v10 =	vld [tilespmem:s12+$0xAF00]  }
0xcb: {  	v8 =	vimm.f32 $0.0e+00;
	v11 =	vld [tilespmem:s12+$0xAF10]  }
0xcc: {  	v9 =	vimm.f32 $0.0e+00;
	v7 =	vimm.f32 $0.0e+00;
	v6 =	vimm.f32 $0.0e+00;
	s14 =	simm.s32 $0x400;
	v12 =	vld [tilespmem:s12+$0xAF20]  }
.LBB2_9:
0xcd: {  	p0 =	sne.s32 s14, $0x6000;
	v13 =	vld [tilespmem:s12+$0xAF30]  }
0xce: {  	v14 =	vld [tilespmem:s12+$0xAF60]  }
0xcf: {  	v15 =	vld [tilespmem:s12+$0xAF70]  }
0xd0: {  	v16 =	vld [tilespmem:s12+$0xAFA0]  }
0xd1: {  	v6 =	vadd.f32 v10, v6;
	v7 =	vadd.f32 v11, v7;
	v10 =	vld [tilespmem:s12+$0xAFB0]  }
0xd2: {  	v9 =	vadd.f32 v12, v9;
	v8 =	vadd.f32 v13, v8;
	v11 =	vld [tilespmem:s12+$0xAFE0]  }
0xd3: {  	v4 =	vadd.f32 v4, v6;
	v5 =	vadd.f32 v5, v7;
	v12 =	vld [tilespmem:s12+$0xAFF0];
	s12 =	sshra.s32 s14, $0x2  }
0xd4: {  	v6 =	vadd.f32 v14, v9;
	v13 =	vld [tilespmem:s12+$0xAFC0];
	v7 =	vadd.f32 v15, v8  }
0xd5: {  	v4 =	vadd.f32 v2, v4;
	v5 =	vadd.f32 v3, v5;
	v14 =	vld [tilespmem:s12+$0xAFD0]  }
0xd6: {  	v8 =	vadd.f32 v16, v6;
	v2 =	vld [tilespmem:s12+$0xAF80];
	v10 =	vadd.f32 v10, v7  }
0xd7: {  	v6 =	vadd.f32 v0, v4;
	v7 =	vadd.f32 v1, v5;
	v3 =	vld [tilespmem:s12+$0xAF90]  }
.Ltmp3:
0xd8: {  	v9 =	vadd.f32 v11, v8;
	v4 =	vld [tilespmem:s12+$0xAF40];
	v8 =	vadd.f32 v12, v10;
	(pc) =	sbr.rel @p0 .LBB2_9-.Ltmp3, $4  }
0xd9: {  	v5 =	vld [tilespmem:s12+$0xAF50];
	v0 =	vmov v13  }
0xda: {  	v10 =	vld [tilespmem:s12+$0xAF00];
	v1 =	vmov v14  }
0xdb: {  	v11 =	vld [tilespmem:s12+$0xAF10]  }
0xdc: {  	s14 =	sadd.s32 $0x400, s14;
	v12 =	vld [tilespmem:s12+$0xAF20]  }
0xdd: {  	v13 =	vld [tilespmem:s12+$0xAF30]  }
0xde: {  	v14 =	vld [tilespmem:s12+$0xAF60]  }
0xdf: {  	v15 =	vld [tilespmem:s12+$0xAF70]  }
0xe0: {  	v16 =	vld [tilespmem:s12+$0xAFA0]  }
0xe1: {  	v56 =	vld [tilespmem:s12+$0xAFB0];
	v6 =	vadd.f32 v10, v6;
	v9 =	vadd.f32 v12, v9  }
0xe2: {  	v57 =	vld [tilespmem:s12+$0xAFE0];
	v7 =	vadd.f32 v11, v7;
	v8 =	vadd.f32 v13, v8  }
0xe3: {  	v58 =	vld [tilespmem:s12+$0xAFF0];
	v4 =	vadd.f32 v4, v6;
	v9 =	vadd.f32 v14, v9  }
0xe4: {  	v5 =	vadd.f32 v5, v7;
	v59 =	vadd.f32 v15, v8  }
0xe5: {  	v2 =	vadd.f32 v2, v4;
	v60 =	vadd.f32 v16, v9  }
0xe6: {  	v3 =	vadd.f32 v3, v5;
	v61 =	vadd.f32 v56, v59  }
0xe7: {  	v0 =	vadd.f32 v0, v2;
	v62 =	vadd.f32 v57, v60  }
0xe8: {  	v1 =	vadd.f32 v1, v3;
	v63 =	vadd.f32 v58, v61  }
0xe9: {  	v0 =	vadd.f32 v62, v0  }
0xea: {  	v1 =	vadd.f32 v63, v1  }
0xeb: {  	s31 =	sadd.s32 $0x1, s31;
	v0 =	vmul.f32 $4.999999890e-03, v0  }
0xec: {  	p0 =	sne.s32 s31, $0x1F;
	v1 =	vmul.f32 $4.999999890e-03, v1  }
.Ltmp4:
0xed: {  	[tilespmem:s1+$0xC860] =	vst v0;
	(pc) =	sbr.rel @p0 .LBB2_2-.Ltmp4, $4  }
0xee: {  	s12 =	sadd.s32 $0x578, s0;
	[tilespmem:s1+$0xC870] =	vst v1  }
0xef: {  	[tilespmem:s21], [sflag:$0x4] =	stream.indirect.gather [hbm4b:s3+s8], $0x20, s12, s8, $0xb8;
	[tilespmem:$0xD800] =	vst v63  }
0xf0: {  	s14 =	sadd.s32 $0x5E0, s0  }
0xf1: {  	[tilespmem:s23], [sflag:$0x4] =	stream.indirect.gather [hbm4b:s3+s10], $0x20, s14, s10, $0xb8;
	[tilespmem:$0xD800] =	vst v63  }
0xf2: {  	_ =	swait.ge [sflag:s24], $0xD00  }
0xf3: {  	[sflag:s24] =	ssyncset.done $0x0  }
0xf4: {  	[sflag:s24] =	ssyncadd.s32 $0xFFFFF300  }
0xf5: {  	_ =	swait.ge [sflag:s24], $0xC00  }
0xf6: {  	[sflag:s24] =	ssyncset.done $0x0  }
0xf7: {  	s0 =	simm.s32 $0x0;
	[sflag:s24] =	ssyncadd.s32 $0xFFFFF400  }
0xf8: {  	v0 =	vld [tilespmem:s0+$0x64C0]  }
0xf9: {  	v1 =	vld [tilespmem:s0+$0x64D0]  }
0xfa: {  	v2 =	vld [tilespmem:s0+$0x6480]  }
0xfb: {  	v3 =	vld [tilespmem:s0+$0x6490]  }
0xfc: {  	v4 =	vld [tilespmem:s0+$0x6440]  }
0xfd: {  	v5 =	vld [tilespmem:s0+$0x6450]  }
0xfe: {  	v10 =	vld [tilespmem:s0+$0x6400]  }
0xff: {  	v6 =	vimm.f32 $0.0e+00;
	v11 =	vld [tilespmem:s0+$0x6410]  }
0x100: {  	s1 =	simm.s32 $0x400;
	v7 =	vimm.f32 $0.0e+00;
	v9 =	vimm.f32 $0.0e+00;
	v8 =	vimm.f32 $0.0e+00;
	v12 =	vld [tilespmem:s0+$0x6420]  }
.LBB2_12:
0x101: {  	p0 =	sne.s32 s1, $0x6000;
	v13 =	vld [tilespmem:s0+$0x6430]  }
0x102: {  	v14 =	vld [tilespmem:s0+$0x6460]  }
0x103: {  	v15 =	vld [tilespmem:s0+$0x6470]  }
0x104: {  	v16 =	vld [tilespmem:s0+$0x64A0]  }
0x105: {  	v6 =	vadd.f32 v10, v6;
	v7 =	vadd.f32 v11, v7;
	v10 =	vld [tilespmem:s0+$0x64B0]  }
0x106: {  	v9 =	vadd.f32 v12, v9;
	v8 =	vadd.f32 v13, v8;
	v11 =	vld [tilespmem:s0+$0x64E0]  }
0x107: {  	v4 =	vadd.f32 v4, v6;
	v5 =	vadd.f32 v5, v7;
	v12 =	vld [tilespmem:s0+$0x64F0];
	s0 =	sshra.s32 s1, $0x2  }
0x108: {  	v6 =	vadd.f32 v14, v9;
	v13 =	vld [tilespmem:s0+$0x64C0];
	v7 =	vadd.f32 v15, v8  }
0x109: {  	v4 =	vadd.f32 v2, v4;
	v5 =	vadd.f32 v3, v5;
	v14 =	vld [tilespmem:s0+$0x64D0]  }
0x10a: {  	v8 =	vadd.f32 v16, v6;
	v2 =	vld [tilespmem:s0+$0x6480];
	v10 =	vadd.f32 v10, v7  }
0x10b: {  	v6 =	vadd.f32 v0, v4;
	v7 =	vadd.f32 v1, v5;
	v3 =	vld [tilespmem:s0+$0x6490]  }
.Ltmp5:
0x10c: {  	v9 =	vadd.f32 v11, v8;
	v4 =	vld [tilespmem:s0+$0x6440];
	v8 =	vadd.f32 v12, v10;
	(pc) =	sbr.rel @p0 .LBB2_12-.Ltmp5, $4  }
0x10d: {  	v5 =	vld [tilespmem:s0+$0x6450];
	v0 =	vmov v13  }
0x10e: {  	v10 =	vld [tilespmem:s0+$0x6400];
	v1 =	vmov v14  }
0x10f: {  	v11 =	vld [tilespmem:s0+$0x6410]  }
0x110: {  	s1 =	sadd.s32 $0x400, s1;
	v12 =	vld [tilespmem:s0+$0x6420]  }
0x111: {  	v13 =	vld [tilespmem:s0+$0x6430]  }
0x112: {  	v14 =	vld [tilespmem:s0+$0x6460]  }
0x113: {  	v15 =	vld [tilespmem:s0+$0x6470]  }
0x114: {  	v16 =	vld [tilespmem:s0+$0x64A0]  }
0x115: {  	v6 =	vadd.f32 v10, v6;
	v10 =	vld [tilespmem:s0+$0x64B0];
	v9 =	vadd.f32 v12, v9  }
0x116: {  	v7 =	vadd.f32 v11, v7;
	v11 =	vld [tilespmem:s0+$0x64E0];
	v8 =	vadd.f32 v13, v8  }
0x117: {  	v4 =	vadd.f32 v4, v6;
	v6 =	vld [tilespmem:s0+$0x64F0];
	v9 =	vadd.f32 v14, v9  }
0x118: {  	v5 =	vadd.f32 v5, v7;
	v7 =	vadd.f32 v15, v8  }
0x119: {  	v2 =	vadd.f32 v2, v4;
	v4 =	vadd.f32 v16, v9  }
0x11a: {  	v3 =	vadd.f32 v3, v5;
	v5 =	vadd.f32 v10, v7  }
0x11b: {  	v0 =	vadd.f32 v0, v2;
	v2 =	vadd.f32 v11, v4  }
0x11c: {  	v1 =	vadd.f32 v1, v3;
	v3 =	vadd.f32 v6, v5  }
0x11d: {  	v0 =	vadd.f32 v2, v0  }
0x11e: {  	v1 =	vadd.f32 v3, v1  }
0x11f: {  	v0 =	vmul.f32 $4.999999890e-03, v0  }
0x120: {  	v1 =	vmul.f32 $4.999999890e-03, v1  }
0x121: {  	[tilespmem:$0xD780] =	vst v0  }
0x122: {  	[tilespmem:$0xD790] =	vst v1  }
0x123: {  	_ =	swait.ge [sflag:s25], $0xD00  }
0x124: {  	[sflag:s25] =	ssyncset.done $0x0  }
0x125: {  	[sflag:s25] =	ssyncadd.s32 $0xFFFFF300  }
0x126: {  	_ =	swait.ge [sflag:s25], $0xC00  }
0x127: {  	[sflag:s25] =	ssyncset.done $0x0  }
0x128: {  	s0 =	simm.s32 $0x0;
	[sflag:s25] =	ssyncadd.s32 $0xFFFFF400  }
0x129: {  	v0 =	vld [tilespmem:s0+$0x7DC0]  }
0x12a: {  	v1 =	vld [tilespmem:s0+$0x7DD0]  }
0x12b: {  	v2 =	vld [tilespmem:s0+$0x7D80]  }
0x12c: {  	v3 =	vld [tilespmem:s0+$0x7D90]  }
0x12d: {  	v4 =	vld [tilespmem:s0+$0x7D40]  }
0x12e: {  	v5 =	vld [tilespmem:s0+$0x7D50]  }
0x12f: {  	v10 =	vld [tilespmem:s0+$0x7D00]  }
0x130: {  	v8 =	vimm.f32 $0.0e+00;
	v11 =	vld [tilespmem:s0+$0x7D10]  }
0x131: {  	s1 =	simm.s32 $0x400;
	v9 =	vimm.f32 $0.0e+00;
	v7 =	vimm.f32 $0.0e+00;
	v6 =	vimm.f32 $0.0e+00;
	v12 =	vld [tilespmem:s0+$0x7D20]  }
.LBB2_14:
0x132: {  	p0 =	sne.s32 s1, $0x6000;
	v13 =	vld [tilespmem:s0+$0x7D30]  }
0x133: {  	v14 =	vld [tilespmem:s0+$0x7D60]  }
0x134: {  	v15 =	vld [tilespmem:s0+$0x7D70]  }
0x135: {  	v16 =	vld [tilespmem:s0+$0x7DA0]  }
0x136: {  	v6 =	vadd.f32 v10, v6;
	v7 =	vadd.f32 v11, v7;
	v10 =	vld [tilespmem:s0+$0x7DB0]  }
0x137: {  	v9 =	vadd.f32 v12, v9;
	v8 =	vadd.f32 v13, v8;
	v11 =	vld [tilespmem:s0+$0x7DE0]  }
0x138: {  	v4 =	vadd.f32 v4, v6;
	v5 =	vadd.f32 v5, v7;
	v12 =	vld [tilespmem:s0+$0x7DF0];
	s0 =	sshra.s32 s1, $0x2  }
0x139: {  	v6 =	vadd.f32 v14, v9;
	v13 =	vld [tilespmem:s0+$0x7DC0];
	v7 =	vadd.f32 v15, v8  }
0x13a: {  	v4 =	vadd.f32 v2, v4;
	v5 =	vadd.f32 v3, v5;
	v14 =	vld [tilespmem:s0+$0x7DD0]  }
0x13b: {  	v8 =	vadd.f32 v16, v6;
	v2 =	vld [tilespmem:s0+$0x7D80];
	v10 =	vadd.f32 v10, v7  }
0x13c: {  	v6 =	vadd.f32 v0, v4;
	v7 =	vadd.f32 v1, v5;
	v3 =	vld [tilespmem:s0+$0x7D90]  }
.Ltmp6:
0x13d: {  	v9 =	vadd.f32 v11, v8;
	v4 =	vld [tilespmem:s0+$0x7D40];
	v8 =	vadd.f32 v12, v10;
	(pc) =	sbr.rel @p0 .LBB2_14-.Ltmp6, $4  }
0x13e: {  	v5 =	vld [tilespmem:s0+$0x7D50];
	v0 =	vmov v13  }
0x13f: {  	v10 =	vld [tilespmem:s0+$0x7D00];
	v1 =	vmov v14  }
0x140: {  	v11 =	vld [tilespmem:s0+$0x7D10]  }
0x141: {  	s1 =	sadd.s32 $0x400, s1;
	v12 =	vld [tilespmem:s0+$0x7D20]  }
0x142: {  	v13 =	vld [tilespmem:s0+$0x7D30]  }
0x143: {  	v14 =	vld [tilespmem:s0+$0x7D60]  }
0x144: {  	v15 =	vld [tilespmem:s0+$0x7D70]  }
0x145: {  	v16 =	vld [tilespmem:s0+$0x7DA0]  }
0x146: {  	v6 =	vadd.f32 v10, v6;
	v10 =	vld [tilespmem:s0+$0x7DB0];
	v9 =	vadd.f32 v12, v9  }
0x147: {  	v7 =	vadd.f32 v11, v7;
	v11 =	vld [tilespmem:s0+$0x7DE0];
	v8 =	vadd.f32 v13, v8  }
0x148: {  	v4 =	vadd.f32 v4, v6;
	v6 =	vld [tilespmem:s0+$0x7DF0];
	v9 =	vadd.f32 v14, v9  }
0x149: {  	v5 =	vadd.f32 v5, v7;
	v7 =	vadd.f32 v15, v8  }
0x14a: {  	v2 =	vadd.f32 v2, v4;
	v4 =	vadd.f32 v16, v9  }
0x14b: {  	v3 =	vadd.f32 v3, v5;
	v5 =	vadd.f32 v10, v7  }
0x14c: {  	v0 =	vadd.f32 v0, v2;
	v2 =	vadd.f32 v11, v4  }
0x14d: {  	v1 =	vadd.f32 v1, v3;
	v3 =	vadd.f32 v6, v5  }
0x14e: {  	v0 =	vadd.f32 v2, v0  }
0x14f: {  	v1 =	vadd.f32 v3, v1  }
0x150: {  	v0 =	vmul.f32 $4.999999890e-03, v0  }
0x151: {  	v1 =	vmul.f32 $4.999999890e-03, v1  }
0x152: {  	[tilespmem:$0xD7A0] =	vst v0  }
0x153: {  	[tilespmem:$0xD7B0] =	vst v1  }
0x154: {  	_ =	swait.ge [sflag:s26], $0xD00  }
0x155: {  	[sflag:s26] =	ssyncset.done $0x0  }
0x156: {  	[sflag:s26] =	ssyncadd.s32 $0xFFFFF300  }
0x157: {  	_ =	swait.ge [sflag:s26], $0xC00  }
0x158: {  	[sflag:s26] =	ssyncset.done $0x0  }
0x159: {  	s0 =	simm.s32 $0x0;
	[sflag:s26] =	ssyncadd.s32 $0xFFFFF400  }
0x15a: {  	v0 =	vld [tilespmem:s0+$0x96C0]  }
0x15b: {  	v1 =	vld [tilespmem:s0+$0x96D0]  }
0x15c: {  	v2 =	vld [tilespmem:s0+$0x9680]  }
0x15d: {  	v3 =	vld [tilespmem:s0+$0x9690]  }
0x15e: {  	v4 =	vld [tilespmem:s0+$0x9640]  }
0x15f: {  	v5 =	vld [tilespmem:s0+$0x9650]  }
0x160: {  	v10 =	vld [tilespmem:s0+$0x9600]  }
0x161: {  	v8 =	vimm.f32 $0.0e+00;
	v11 =	vld [tilespmem:s0+$0x9610]  }
0x162: {  	s1 =	simm.s32 $0x400;
	v9 =	vimm.f32 $0.0e+00;
	v7 =	vimm.f32 $0.0e+00;
	v6 =	vimm.f32 $0.0e+00;
	v12 =	vld [tilespmem:s0+$0x9620]  }
.LBB2_16:
0x163: {  	p0 =	sne.s32 s1, $0x6000;
	v13 =	vld [tilespmem:s0+$0x9630]  }
0x164: {  	v14 =	vld [tilespmem:s0+$0x9660]  }
0x165: {  	v15 =	vld [tilespmem:s0+$0x9670]  }
0x166: {  	v16 =	vld [tilespmem:s0+$0x96A0]  }
0x167: {  	v6 =	vadd.f32 v10, v6;
	v7 =	vadd.f32 v11, v7;
	v10 =	vld [tilespmem:s0+$0x96B0]  }
0x168: {  	v9 =	vadd.f32 v12, v9;
	v8 =	vadd.f32 v13, v8;
	v11 =	vld [tilespmem:s0+$0x96E0]  }
0x169: {  	v4 =	vadd.f32 v4, v6;
	v5 =	vadd.f32 v5, v7;
	v12 =	vld [tilespmem:s0+$0x96F0];
	s0 =	sshra.s32 s1, $0x2  }
0x16a: {  	v6 =	vadd.f32 v14, v9;
	v13 =	vld [tilespmem:s0+$0x96C0];
	v7 =	vadd.f32 v15, v8  }
0x16b: {  	v4 =	vadd.f32 v2, v4;
	v5 =	vadd.f32 v3, v5;
	v14 =	vld [tilespmem:s0+$0x96D0]  }
0x16c: {  	v8 =	vadd.f32 v16, v6;
	v2 =	vld [tilespmem:s0+$0x9680];
	v10 =	vadd.f32 v10, v7  }
0x16d: {  	v6 =	vadd.f32 v0, v4;
	v7 =	vadd.f32 v1, v5;
	v3 =	vld [tilespmem:s0+$0x9690]  }
.Ltmp7:
0x16e: {  	v9 =	vadd.f32 v11, v8;
	v4 =	vld [tilespmem:s0+$0x9640];
	v8 =	vadd.f32 v12, v10;
	(pc) =	sbr.rel @p0 .LBB2_16-.Ltmp7, $4  }
0x16f: {  	v5 =	vld [tilespmem:s0+$0x9650];
	v0 =	vmov v13  }
0x170: {  	v10 =	vld [tilespmem:s0+$0x9600];
	v1 =	vmov v14  }
0x171: {  	v11 =	vld [tilespmem:s0+$0x9610]  }
0x172: {  	s1 =	sadd.s32 $0x400, s1;
	v12 =	vld [tilespmem:s0+$0x9620]  }
0x173: {  	v13 =	vld [tilespmem:s0+$0x9630]  }
0x174: {  	v14 =	vld [tilespmem:s0+$0x9660]  }
0x175: {  	v15 =	vld [tilespmem:s0+$0x9670]  }
0x176: {  	v16 =	vld [tilespmem:s0+$0x96A0]  }
0x177: {  	v6 =	vadd.f32 v10, v6;
	v10 =	vld [tilespmem:s0+$0x96B0];
	v9 =	vadd.f32 v12, v9  }
0x178: {  	v7 =	vadd.f32 v11, v7;
	v11 =	vld [tilespmem:s0+$0x96E0];
	v8 =	vadd.f32 v13, v8  }
0x179: {  	v4 =	vadd.f32 v4, v6;
	v6 =	vld [tilespmem:s0+$0x96F0];
	v9 =	vadd.f32 v14, v9  }
0x17a: {  	v5 =	vadd.f32 v5, v7;
	v7 =	vadd.f32 v15, v8  }
0x17b: {  	v2 =	vadd.f32 v2, v4;
	v4 =	vadd.f32 v16, v9  }
0x17c: {  	v3 =	vadd.f32 v3, v5;
	v5 =	vadd.f32 v10, v7  }
0x17d: {  	v0 =	vadd.f32 v0, v2;
	v2 =	vadd.f32 v11, v4  }
0x17e: {  	v1 =	vadd.f32 v1, v3;
	v3 =	vadd.f32 v6, v5  }
0x17f: {  	v0 =	vadd.f32 v2, v0  }
0x180: {  	v1 =	vadd.f32 v3, v1  }
0x181: {  	v0 =	vmul.f32 $4.999999890e-03, v0  }
0x182: {  	v1 =	vmul.f32 $4.999999890e-03, v1  }
0x183: {  	[tilespmem:$0xD7C0] =	vst v0  }
0x184: {  	[tilespmem:$0xD7D0] =	vst v1  }
0x185: {  	_ =	swait.ge [sflag:s28], $0xD00  }
0x186: {  	[sflag:s28] =	ssyncset.done $0x0  }
0x187: {  	[sflag:s28] =	ssyncadd.s32 $0xFFFFF300  }
0x188: {  	_ =	swait.ge [sflag:s28], $0xC00  }
0x189: {  	[sflag:s28] =	ssyncset.done $0x0  }
0x18a: {  	s0 =	simm.s32 $0x0;
	[sflag:s28] =	ssyncadd.s32 $0xFFFFF400  }
0x18b: {  	v0 =	vld [tilespmem:s0+$0xAFC0]  }
0x18c: {  	v1 =	vld [tilespmem:s0+$0xAFD0]  }
0x18d: {  	v2 =	vld [tilespmem:s0+$0xAF80]  }
0x18e: {  	v3 =	vld [tilespmem:s0+$0xAF90]  }
0x18f: {  	v4 =	vld [tilespmem:s0+$0xAF40]  }
0x190: {  	v5 =	vld [tilespmem:s0+$0xAF50]  }
0x191: {  	v10 =	vld [tilespmem:s0+$0xAF00]  }
0x192: {  	v8 =	vimm.f32 $0.0e+00;
	v11 =	vld [tilespmem:s0+$0xAF10]  }
0x193: {  	s1 =	simm.s32 $0x400;
	v9 =	vimm.f32 $0.0e+00;
	v7 =	vimm.f32 $0.0e+00;
	v6 =	vimm.f32 $0.0e+00;
	v12 =	vld [tilespmem:s0+$0xAF20]  }
.LBB2_18:
0x194: {  	p0 =	sne.s32 s1, $0x6000;
	v13 =	vld [tilespmem:s0+$0xAF30]  }
0x195: {  	v14 =	vld [tilespmem:s0+$0xAF60]  }
0x196: {  	v15 =	vld [tilespmem:s0+$0xAF70]  }
0x197: {  	v16 =	vld [tilespmem:s0+$0xAFA0]  }
0x198: {  	v6 =	vadd.f32 v10, v6;
	v7 =	vadd.f32 v11, v7;
	v10 =	vld [tilespmem:s0+$0xAFB0]  }
0x199: {  	v9 =	vadd.f32 v12, v9;
	v8 =	vadd.f32 v13, v8;
	v11 =	vld [tilespmem:s0+$0xAFE0]  }
0x19a: {  	v4 =	vadd.f32 v4, v6;
	v5 =	vadd.f32 v5, v7;
	v12 =	vld [tilespmem:s0+$0xAFF0];
	s0 =	sshra.s32 s1, $0x2  }
0x19b: {  	v6 =	vadd.f32 v14, v9;
	v13 =	vld [tilespmem:s0+$0xAFC0];
	v7 =	vadd.f32 v15, v8  }
0x19c: {  	v4 =	vadd.f32 v2, v4;
	v5 =	vadd.f32 v3, v5;
	v14 =	vld [tilespmem:s0+$0xAFD0]  }
0x19d: {  	v8 =	vadd.f32 v16, v6;
	v2 =	vld [tilespmem:s0+$0xAF80];
	v10 =	vadd.f32 v10, v7  }
0x19e: {  	v6 =	vadd.f32 v0, v4;
	v7 =	vadd.f32 v1, v5;
	v3 =	vld [tilespmem:s0+$0xAF90]  }
.Ltmp8:
0x19f: {  	v9 =	vadd.f32 v11, v8;
	v4 =	vld [tilespmem:s0+$0xAF40];
	v8 =	vadd.f32 v12, v10;
	(pc) =	sbr.rel @p0 .LBB2_18-.Ltmp8, $4  }
0x1a0: {  	v5 =	vld [tilespmem:s0+$0xAF50];
	v0 =	vmov v13  }
0x1a1: {  	v10 =	vld [tilespmem:s0+$0xAF00];
	v1 =	vmov v14  }
0x1a2: {  	v11 =	vld [tilespmem:s0+$0xAF10]  }
0x1a3: {  	s1 =	sadd.s32 $0x400, s1;
	v12 =	vld [tilespmem:s0+$0xAF20]  }
0x1a4: {  	v13 =	vld [tilespmem:s0+$0xAF30]  }
0x1a5: {  	v14 =	vld [tilespmem:s0+$0xAF60]  }
0x1a6: {  	v15 =	vld [tilespmem:s0+$0xAF70]  }
0x1a7: {  	v16 =	vld [tilespmem:s0+$0xAFA0]  }
0x1a8: {  	v56 =	vld [tilespmem:s0+$0xAFB0];
	v6 =	vadd.f32 v10, v6;
	v9 =	vadd.f32 v12, v9  }
0x1a9: {  	v57 =	vld [tilespmem:s0+$0xAFE0];
	v7 =	vadd.f32 v11, v7;
	v8 =	vadd.f32 v13, v8  }
0x1aa: {  	v58 =	vld [tilespmem:s0+$0xAFF0];
	v4 =	vadd.f32 v4, v6;
	v9 =	vadd.f32 v14, v9  }
0x1ab: {  	v5 =	vadd.f32 v5, v7;
	v59 =	vadd.f32 v15, v8  }
0x1ac: {  	v2 =	vadd.f32 v2, v4;
	v60 =	vadd.f32 v16, v9  }
0x1ad: {  	v3 =	vadd.f32 v3, v5;
	v61 =	vadd.f32 v56, v59  }
0x1ae: {  	v0 =	vadd.f32 v0, v2;
	v62 =	vadd.f32 v57, v60  }
0x1af: {  	v1 =	vadd.f32 v1, v3;
	v63 =	vadd.f32 v58, v61  }
0x1b0: {  	v0 =	vadd.f32 v62, v0  }
0x1b1: {  	v1 =	vadd.f32 v63, v1  }
0x1b2: {  	v0 =	vmul.f32 $4.999999890e-03, v0  }
0x1b3: {  	s30 =	sadd.s32 $0x1, s30;
	v1 =	vmul.f32 $4.999999890e-03, v1  }
0x1b4: {  	p0 =	sne.s32 s30, s6;
	[tilespmem:$0xD7E0] =	vst v0  }
.Ltmp9:
0x1b5: {  	[tilespmem:$0xD7F0] =	vst v1;
	(pc) =	sbr.rel @p0 .LBB2_1-.Ltmp9, $4  }
0x1b6: {  	[hbm4b:s5+s2] =	stream.linear.scatter [tilespmem:s29], [sflag:$0x5], $0x1000, $0x38;
	[tilespmem:$0xD800] =	vst v63  }
0x1b7: {  	_ =	swait.ge [sflag:s7], $0x1000  }
0x1b8: {  	[sflag:s7] =	ssyncset.done $0x0  }
0x1b9: {  	[sflag:s7] =	ssyncadd.s32 $0xFFFFF000  }
0x1ba: {  	_ =	sfence.sel $0x180000  }
0x1bb: {  	[bflag:$0x0] =	sbarrier.arrive $0xFFFF  }
0x1bc: {  	_ =	strace $0x90000047  }
0x1bd: {  	s0 =	stileid.u32;
	[bflag:$0x2] =	sbarrier.arrive $0xFFFF  }
0x1be: {  	p0 =	sne.s32 s0, $0x0;
	s0 =	rddreg [dreg:$0x2]  }
0x1bf: {  	s0 =	sadd.s32 @!p0 $0x100000, s0  }
0x1c0: {  	[sflag:s0] =	ssyncadd.tile.s32 @!p0 $0x1;
	_ =	shalt  }
.Lfunc_end2:
_tile_overlayer_lowered:
.L_overlay_start_2:
0x1c1: {  	(tag) =	ssettag $0x2  }
0x1c2: {  	s0 =	rddreg [dreg:$0x0];
	s2 =	stileid.u32  }
0x1c3: {  	s1 =	rddreg [dreg:$0x1];
	p0 =	sne.s32 s2, $0x0  }
0x1c4: {  	s3 =	rddreg [dreg:$0x2];
	[bflag:$0x3] =	sbarrier.arrive $0xFFFF;
	s2 =	simm.s32 @!p0 $0x1C05  }
0x1c5: {  	[timem:s3], [sflag:s2] =	dma.local @!p0 [hbm:s0], s1  }
0x1c6: {  	s0 =	simm.s32 @!p0 $0x5  }
0x1c7: {  	_ =	swait.ge @!p0 [sflag:s0], s1  }
0x1c8: {  	s1 =	ssub.s32 @!p0 $0x0, s1;
	[sflag:s0] =	ssyncset.done @!p0 $0x0  }
0x1c9: {  	[sflag:s0] =	ssyncadd.s32 @!p0 s1  }
0x1ca: {  	[bflag:$0x3] =	sbarrier.arrive $0xFFFF  }
0x1cb: {  	_ =	shalt  }

</sc_bundles>
